<compile_context>
chip_gen: v7x
topology: tpu7x:2x2x1
jax: 0.10.2.dev20260603
libtpu: 0.0.44.dev20260713+nightly
codegen_flags: <defaults>
</compile_context>

<pallas_src>
import functools
import math

import jax
import jax.numpy as jnp
import numpy as np
from jax import lax
from jax.experimental import pallas as pl
from jax.experimental.pallas import tpu as pltpu
from jax.experimental.pallas import tpu_sc as plsc

NN = 10000
KK = 16
IFZ = 128
AHZ = 12
AFZ = 16
QPZ = 4
VPZ = 8

FP = 256
NPAD = 10240
ROWS = KK * NPAD
NW = 32
CHUNK = 128
PER_W = ROWS // NW
NCH = PER_W // CHUNK

BN = 200
NBLK = NN // BN
BE = KK * BN

WC = math.sqrt(2.0 / (9.0 * QPZ))
WL = math.sqrt(1.0 / 3.0)


def _sc_gather(table, idx, rows):
    mesh = plsc.VectorSubcoreMesh(core_axis_name="c", subcore_axis_name="s")
    per_w = rows // NW
    nch = per_w // CHUNK

    @functools.partial(
        pl.kernel,
        mesh=mesh,
        out_type=jax.ShapeDtypeStruct((rows, 128), jnp.int32),
        scratch_types=[
            pltpu.VMEM((per_w,), jnp.int32),
            pltpu.VMEM((CHUNK, 128), jnp.int32),
            pltpu.VMEM((CHUNK, 128), jnp.int32),
            pltpu.SemaphoreType.DMA,
            pltpu.SemaphoreType.DMA,
            pltpu.SemaphoreType.DMA,
            pltpu.SemaphoreType.DMA,
        ],
    )
    def k(table_hbm, idx_hbm, out_hbm, idx_all, r0, r1, sg0, sg1, so0, so1):
        wid = lax.axis_index("s") * 2 + lax.axis_index("c")
        base = wid * per_w
        pltpu.sync_copy(idx_hbm.at[pl.ds(base, per_w)], idx_all)

        def ix(c):
            return idx_all.at[pl.ds(c * CHUNK, CHUNK)]

        def start_gather(c, r, sg):
            pltpu.async_copy(table_hbm.at[ix(c)], r, sg)

        def wait_gather(c, r, sg):
            pltpu.make_async_copy(table_hbm.at[ix(c)], r, sg).wait()

        def start_out(c, r, so):
            pltpu.async_copy(r, out_hbm.at[pl.ds(base + c * CHUNK, CHUNK)], so)

        def wait_out(c, r, so):
            pltpu.make_async_copy(
                r, out_hbm.at[pl.ds(base + c * CHUNK, CHUNK)], so).wait()

        npair = nch // 2
        start_gather(0, r0, sg0)

        def body(p, carry):
            c0 = 2 * p
            wait_gather(c0, r0, sg0)

            @pl.when(p > 0)
            def _():
                wait_out(c0 - 1, r1, so1)

            start_gather(c0 + 1, r1, sg1)
            start_out(c0, r0, so0)
            wait_gather(c0 + 1, r1, sg1)
            wait_out(c0, r0, so0)

            @pl.when(p < npair - 1)
            def _():
                start_gather(c0 + 2, r0, sg0)

            start_out(c0 + 1, r1, so1)
            return carry

        lax.fori_loop(0, npair, body, 0)
        wait_out(nch - 1, r1, so1)

    return k(table, idx)


def _dot(a, b):
    return jnp.dot(a, b, preferred_element_type=jnp.float32)


def _ksum(arr):
    acc = arr[0:BN]
    for k in range(1, KK):
        acc = acc + arr[k * BN:(k + 1) * BN]
    return acc


def _tc_body(g, x1d, x2f, affd, ped, wsrc, wdst, biaTs, bwp, bb,
             lng, lnb, b192s, b48s, t8, tile64, s12, ebc, o_ref):
    x1 = x1d[...]
    aff = affd[...]

    def A(i):
        return aff[:, i:i + 1]

    gi = g[...].reshape(BE, 128)
    xe = jax.lax.bitcast_convert_type(gi << 16, jnp.float32)
    aux_plane = jax.lax.bitcast_convert_type(
        gi & jnp.int32(-65536), jnp.float32)
    aux = aux_plane[:, 0:12]
    pe = aux_plane[:, 12:20]

    proj = _dot(xe, wsrc[...])
    cT = _dot(jnp.cos(pe), t8[...])
    sT = _dot(jnp.sin(pe), t8[...])
    rk1 = proj[:, 0:192] * cT + proj[:, 816:1008] * sT

    qp = _dot(x1, wdst[...])
    cTd = _dot(jnp.cos(ped[...]), t8[...])
    sTd = _dot(jnp.sin(ped[...]), t8[...])
    rq1d = qp[:, 0:192] * cTd + qp[:, 192:384] * sTd
    rq1 = jnp.concatenate([rq1d] * KK, axis=0)
    qpt = jnp.concatenate([qp] * KK, axis=0)

    rb = _dot(aux, s12[...])

    def RB(j, w):
        return rb[:, 128 * j:128 * j + w]

    ux = qpt[:, 384:432] - proj[:, 384:432]
    uy = qpt[:, 432:480] - proj[:, 432:480]
    uz = qpt[:, 480:528] - proj[:, 480:528]

    g00 = A(0) * A(0) + A(4) * A(4) + A(8) * A(8)
    g11 = A(1) * A(1) + A(5) * A(5) + A(9) * A(9)
    g22 = A(2) * A(2) + A(6) * A(6) + A(10) * A(10)
    g01 = A(0) * A(1) + A(4) * A(5) + A(8) * A(9)
    g02 = A(0) * A(2) + A(4) * A(6) + A(8) * A(10)
    g12 = A(1) * A(2) + A(5) * A(6) + A(9) * A(10)
    gv = jnp.concatenate(
        [g00, g11, g22, 2.0 * g01, 2.0 * g02, 2.0 * g12], axis=1)
    gt = jnp.concatenate([gv] * KK, axis=0)

    x2r = x2f[...]
    x2all = jnp.concatenate(
        [x2r[:, 64 * k:64 * (k + 1)] for k in range(KK)], axis=0)

    s1 = _dot(rq1 * rk1, b192s[...])
    b48m = b48s[...]
    s2 = (gt[:, 0:1] * _dot(ux * ux, b48m)
          + gt[:, 1:2] * _dot(uy * uy, b48m)
          + gt[:, 2:3] * _dot(uz * uz, b48m)
          + gt[:, 3:4] * _dot(ux * uy, b48m)
          + gt[:, 4:5] * _dot(ux * uz, b48m)
          + gt[:, 5:6] * _dot(uy * uz, b48m))
    bias = _dot(x2all, biaTs[...])
    e = jnp.exp(s1 + s2 + bias)

    w_bc = _dot(e, ebc[...])
    p1 = w_bc[:, 0:192] * proj[:, 192:384]
    tvx = RB(0, 96) * proj[:, 528:624] + RB(1, 96) * proj[:, 624:720] \
        + RB(2, 96) * proj[:, 720:816] + RB(9, 96)
    tvy = RB(3, 96) * proj[:, 528:624] + RB(4, 96) * proj[:, 624:720] \
        + RB(5, 96) * proj[:, 720:816] + RB(10, 96)
    tvz = RB(6, 96) * proj[:, 528:624] + RB(7, 96) * proj[:, 624:720] \
        + RB(8, 96) * proj[:, 720:816] + RB(11, 96)
    pvx = w_bc[:, 1024:1120] * tvx
    pvy = w_bc[:, 1024:1120] * tvy
    pvz = w_bc[:, 1024:1120] * tvz
    p2 = w_bc[:, 256:1024] * _dot(x2all, tile64[...])

    denom = _ksum(e)
    acc1 = _ksum(p1)
    avx = _ksum(pvx)
    avy = _ksum(pvy)
    avz = _ksum(pvz)
    acc2 = _ksum(p2)

    winv = 1.0 / denom
    v_bc = _dot(winv, ebc[...])
    out1 = acc1 * v_bc[:, 0:192]
    out2 = acc2 * v_bc[:, 256:1024]
    w96 = v_bc[:, 1024:1120]
    yx = avx * w96 - A(3)
    yy = avy * w96 - A(7)
    yz = avz * w96 - A(11)
    ox = A(0) * yx + A(4) * yy + A(8) * yz
    oy = A(1) * yx + A(5) * yy + A(9) * yz
    oz = A(2) * yx + A(6) * yy + A(10) * yz
    nrm = jnp.sqrt(ox * ox + oy * oy + oz * oz + 1e-12)

    cat = jnp.concatenate([out1, out2, ox, oy, oz, nrm], axis=1)
    out = _dot(cat, bwp[...]) + bb[...]
    h = math.sqrt(2.0) * x1 + out
    mu = jnp.mean(h, axis=-1, keepdims=True)
    var = jnp.mean(jnp.square(h - mu), axis=-1, keepdims=True)
    o_ref[...] = lng[...] * (h - mu) * jax.lax.rsqrt(var + 1e-5) + lnb[...]


def _tc_specs(nblk):
    def blk(shape, imap):
        return pl.BlockSpec(shape, imap)

    def c2(shape):
        return pl.BlockSpec(shape, lambda i: (0, 0))

    in_specs = [
        blk((KK, BN, 128), lambda i: (0, i, 0)),
        blk((BN, IFZ), lambda i: (i, 0)),
        blk((BN, KK * 64), lambda i: (i, 0)),
        blk((BN, 16), lambda i: (i, 0)),
        blk((BN, 8), lambda i: (i, 0)),
        c2((IFZ, 1008)),
        c2((IFZ, 528)),
        c2((64, AHZ)),
        c2((1344, IFZ)),
        c2((1, IFZ)),
        c2((1, IFZ)),
        c2((1, IFZ)),
        c2((192, AHZ)),
        c2((48, AHZ)),
        c2((8, 192)),
        c2((64, 768)),
        c2((12, 1536)),
        c2((AHZ, 1120)),
    ]
    out_spec = pl.BlockSpec((BN, IFZ), lambda i: (i, 0))
    out_shape = jax.ShapeDtypeStruct((nblk * BN, IFZ), jnp.float32)
    return (nblk,), in_specs, out_spec, out_shape


def _prep_consts():
    b192 = (np.arange(192)[:, None] // AFZ == np.arange(AHZ)[None, :]
            ).astype(np.float32)
    b48 = (np.arange(48)[:, None] // QPZ == np.arange(AHZ)[None, :]
           ).astype(np.float32)

    ebc = np.zeros((AHZ, 1120), np.float32)
    for a in range(AHZ):
        ebc[a, a * 16:(a + 1) * 16] = 1.0
        ebc[a, 256 + a * 64:256 + (a + 1) * 64] = 1.0
        ebc[a, 1024 + a * 8:1024 + (a + 1) * 8] = 1.0

    t8 = np.zeros((8, 192), np.float32)
    for a in range(AHZ):
        for u in range(16):
            t8[u % 8, a * 16 + u] = 1.0

    tile64 = np.zeros((64, 768), np.float32)
    for a in range(AHZ):
        for i in range(64):
            tile64[i, a * 64 + i] = 1.0

    s12 = np.zeros((12, 1536), np.float32)
    for j in range(12):
        s12[j, 128 * j:128 * j + 96] = 1.0

    pswap = np.zeros((192, 192), np.float32)
    for a in range(AHZ):
        for t in range(8):
            pswap[a * 16 + 8 + t, a * 16 + t] = -1.0
            pswap[a * 16 + t, a * 16 + 8 + t] = 1.0

    rope_perm = np.zeros(192, np.int32)
    for a in range(AHZ):
        for t in range(8):
            rope_perm[a * 16 + t] = a * 16 + 2 * t
            rope_perm[a * 16 + 8 + t] = a * 16 + 2 * t + 1

    qk_perm = np.zeros(144, np.int32)
    for d in range(3):
        for a in range(AHZ):
            for p in range(QPZ):
                qk_perm[d * 48 + a * QPZ + p] = a * QPZ * 3 + p * 3 + d
    v_perm = np.zeros(288, np.int32)
    for d in range(3):
        for a in range(AHZ):
            for v in range(VPZ):
                v_perm[d * 96 + a * VPZ + v] = a * VPZ * 3 + v * 3 + d

    colperm = np.arange(1344)
    for d in range(3):
        for a in range(AHZ):
            for v in range(VPZ):
                colperm[960 + d * 96 + a * VPZ + v] = 960 + a * VPZ * 3 + v * 3 + d

    return (b192, b48, ebc, t8, tile64, s12, pswap, rope_perm, qk_perm,
            v_perm, colperm)


_CONSTS = _prep_consts()


def _weights(q1_w, q2_w, k1_w, k2_w, v1_w, v2_w, bia_w, back_w, back_b,
             gamma, ln_g, ln_b):
    (b192, b48, ebc, t8, tile64, s12, pswap, rope_perm, qk_perm,
     v_perm, colperm) = _CONSTS
    psw = jnp.asarray(pswap)

    wk1 = k1_w[rope_perm].T
    wsrc = jnp.concatenate(
        [wk1, v1_w.T, k2_w[qk_perm].T, v2_w[v_perm].T, _dot(wk1, psw)],
        axis=1)
    wq1 = q1_w[rope_perm].T
    wdst = jnp.concatenate([wq1, _dot(wq1, psw), q2_w[qk_perm].T], axis=1)
    bwp = back_w[:, colperm].T

    b192s = jnp.asarray(b192) * (WL * 0.25)
    b48s = jnp.asarray(b48) * (gamma.reshape(1, AHZ) * (-0.1 * WC * WL))
    biaTs = bia_w.T * WL

    return (wsrc, wdst, biaTs, bwp, back_b.reshape(1, IFZ),
            ln_g.reshape(1, IFZ), ln_b.reshape(1, IFZ),
            b192s, b48s, jnp.asarray(t8), jnp.asarray(tile64),
            jnp.asarray(s12), jnp.asarray(ebc))


def _tc_call(g, x1h, x2fh, affdh, pedh, wts, nblk):
    grid, in_specs, out_spec, out_shape = _tc_specs(nblk)
    return pl.pallas_call(
        _tc_body, grid=grid, in_specs=in_specs, out_specs=out_spec,
        out_shape=out_shape,
        compiler_params=pltpu.CompilerParams(
            vmem_limit_bytes=112 * 1024 * 1024),
    )(g, x1h, x2fh, affdh, pedh, *wts)


def kernel(x1, x2, affines, pos_emb, edge_index, q1_w, k1_w, v1_w, q2_w,
           k2_w, v2_w, bia_w, back_w, back_b, gamma, ln_g, ln_b):
    rot = affines[:, :3, :3].reshape(NN, 9)
    trans = affines[:, :3, 3]
    aux = jnp.concatenate(
        [rot, trans, pos_emb, jnp.zeros((NN, 108), jnp.float32)], axis=1)

    def b16(v):
        return jax.lax.bitcast_convert_type(
            v.astype(jnp.bfloat16), jnp.uint16).astype(jnp.uint32)

    table = ((b16(aux) << 16) | b16(x1)).astype(jnp.int32)

    idxT = edge_index.T.astype(jnp.int32)
    idx = jnp.pad(idxT, ((0, 0), (0, NPAD - NN))).reshape(ROWS)
    wts = _weights(q1_w, q2_w, k1_w, k2_w, v1_w, v2_w, bia_w, back_w,
                   back_b, gamma, ln_g, ln_b)

    g = _sc_gather(table, idx, ROWS).reshape(KK, NPAD, 128)
    return _tc_call(g, x1, x2.reshape(NN, KK * 64), affines.reshape(NN, 16),
                    pos_emb, wts, NBLK)

# --- scband reference (transcript-rebuilt; emitter-appended) ---
"""Pipeline reference for scband-invariant-point-attention-32736240730456 (READ-ONLY COPY).

The authoritative reference and input builder live on the scoring server;
editing this copy changes nothing except your own understanding.
"""

import jax, jax.numpy as jnp
import numpy as np
import math

N = 10000
K = 16
IFZ = 128
AHZ = 12
AFZ = 16
QPZ = 4
VPZ = 8


def rope_rotate(v, angles):
    cos = jnp.cos(angles)
    sin = jnp.sin(angles)
    v1 = v[..., 0::2]
    v2 = v[..., 1::2]
    r1 = v1 * cos - v2 * sin
    r2 = v1 * sin + v2 * cos
    out = jnp.stack([r1, r2], axis=-1)
    return out.reshape(out.shape[:-2] + (out.shape[-2] * 2,))


def Rope(q, k, pos_emb, edge_index):
    aq = pos_emb[:, None, :]
    ak = pos_emb[edge_index][:, :, None, :]
    return rope_rotate(q, aq), rope_rotate(k, ak)


def affine_mul_vecs(aff, vecs):
    rot = aff[:, :3, :3]
    trans = aff[:, :3, 3]
    extra = vecs.ndim - 2
    r = rot.reshape((rot.shape[0],) + (1,) * extra + (3, 3))
    t = trans.reshape((trans.shape[0],) + (1,) * extra + (3,))
    return jnp.einsum('...ij,...j->...i', r, vecs) + t


def invert_affine(aff):
    rot = aff[:, :3, :3]
    trans = aff[:, :3, 3]
    rot_t = jnp.swapaxes(rot, -1, -2)
    t_inv = -jnp.einsum('nij,nj->ni', rot_t, trans)
    out = jnp.zeros_like(aff)
    out = out.at[:, :3, :3].set(rot_t)
    out = out.at[:, :3, 3].set(t_inv)
    out = out.at[:, 3, 3].set(1.0)
    return out


def setup_inputs(seed: int = 0) -> dict:
    key = jax.random.key(seed)
    ks = jax.random.split(key, 16)
    s = 0.02
    x1 = jax.random.normal(ks[0], (N, IFZ), dtype=jnp.float32)
    x2 = jax.random.normal(ks[1], (N, K, IFZ // 2), dtype=jnp.float32)
    affines = jax.random.normal(ks[2], (N, 4, 4), dtype=jnp.float32)
    pos_emb = jax.random.normal(ks[3], (N, AFZ // 2), dtype=jnp.float32)
    edge_index = jax.random.randint(ks[4], (N, K), 0, N)
    q1_w = jax.random.normal(ks[5], (AHZ * AFZ, IFZ), dtype=jnp.float32) * s
    k1_w = jax.random.normal(ks[6], (AHZ * AFZ, IFZ), dtype=jnp.float32) * s
    v1_w = jax.random.normal(ks[7], (AHZ * AFZ, IFZ), dtype=jnp.float32) * s
    q2_w = jax.random.normal(ks[8], (AHZ * QPZ * 3, IFZ), dtype=jnp.float32) * s
    k2_w = jax.random.normal(ks[9], (AHZ * QPZ * 3, IFZ), dtype=jnp.float32) * s
    v2_w = jax.random.normal(ks[10], (AHZ * VPZ * 3, IFZ), dtype=jnp.float32) * s
    bia_w = jax.random.normal(ks[11], (AHZ, IFZ // 2), dtype=jnp.float32) * s
    back_in = AHZ * AFZ + AHZ * (IFZ // 2) + AHZ * VPZ * 4
    back_w = jax.random.normal(ks[12], (IFZ, back_in), dtype=jnp.float32) * s
    back_b = jnp.zeros((IFZ,), dtype=jnp.float32)
    gamma = 1.1 * jnp.ones((1, 1, AHZ), dtype=jnp.float32)
    ln_g = jnp.ones((IFZ,), dtype=jnp.float32)
    ln_b = jnp.zeros((IFZ,), dtype=jnp.float32)
    return {'x1': x1, 'x2': x2, 'affines': affines, 'pos_emb': pos_emb,
            'edge_index': edge_index, 'q1_w': q1_w, 'k1_w': k1_w, 'v1_w': v1_w,
            'q2_w': q2_w, 'k2_w': k2_w, 'v2_w': v2_w, 'bia_w': bia_w,
            'back_w': back_w, 'back_b': back_b, 'gamma': gamma,
            'ln_g': ln_g, 'ln_b': ln_b}


def reference(x1, x2, affines, pos_emb, edge_index, q1_w, k1_w, v1_w, q2_w,
              k2_w, v2_w, bia_w, back_w, back_b, gamma, ln_g, ln_b):
    n = x1.shape[0]
    query1 = (x1 @ q1_w.T).reshape(n, AHZ, AFZ)
    key1 = ((x1 @ k1_w.T).reshape(n, AHZ, AFZ))[edge_index]
    query1, key1 = Rope(query1, key1, pos_emb, edge_index)
    value1 = ((x1 @ v1_w.T).reshape(n, AHZ, AFZ))[edge_index]
    query2 = (x1 @ q2_w.T).reshape(n, 1, AHZ, QPZ, 3)
    key2 = ((x1 @ k2_w.T).reshape(n, AHZ, QPZ, 3))[edge_index]
    value2 = (x1 @ v2_w.T).reshape(n, AHZ, VPZ, 3)
    bias = x2 @ bia_w.T
    wc = math.sqrt(2.0 / (9.0 * QPZ))
    wl = math.sqrt(1.0 / 3.0)
    score1 = jnp.einsum('nai,nkai->nka', query1, key1) / math.sqrt(AFZ) + bias
    tq = affine_mul_vecs(affines, query2)
    tk = affine_mul_vecs(affines, key2)
    score2 = -jnp.sum(jnp.square(tq - tk), axis=-1).sum(axis=-1)
    scores = wl * (score1 + 0.1 * wc * gamma * score2)
    w = jax.nn.softmax(scores, axis=1)
    output1 = jnp.einsum('nka,nkai->nai', w, value1)
    output2 = jnp.einsum('nka,nki->nai', w, x2)
    tv = affine_mul_vecs(affines, value2)[edge_index]
    output_ipa = jnp.einsum('nka,nkavd->navd', w, tv)
    output_ipa = affine_mul_vecs(invert_affine(affines), output_ipa)
    ipa_norm = jnp.sqrt(jnp.sum(jnp.square(output_ipa), axis=-1) + 1e-12)
    cat = jnp.concatenate([output1.reshape(n, -1), output2.reshape(n, -1),
                           output_ipa.reshape(n, -1), ipa_norm.reshape(n, -1)],
                          axis=1)
    out = cat @ back_w.T + back_b
    h = math.sqrt(2.0) * x1 + out
    mu = jnp.mean(h, axis=-1, keepdims=True)
    var = jnp.mean(jnp.square(h - mu), axis=-1, keepdims=True)
    return ln_g * (h - mu) / jnp.sqrt(var + 1e-5) + ln_b


if False:  # reference __main__ guard neutralized (emitter)
    inp = setup_inputs()
    y = reference(**inp)
    print(y.shape, y.dtype)

if __name__ == "__main__":
    import jax
    _d = setup_inputs()
    print(jax.jit(kernel)(*tuple(_d.values())))

</pallas_src>

<mosaic_0001>
#map = affine_map<(d0, d1) -> (0, 0)>
#map1 = affine_map<(d0, d1) -> (0)>
module attributes {stable_mosaic.version = 14 : i64} {
  func.func @k(%arg0: i32, %arg1: i32, %arg2: memref<10000x128xi32, #tpu.memory_space<hbm>>, %arg3: memref<163840xi32, #tpu.memory_space<hbm>>, %arg4: memref<163840x128xi32, #tpu.memory_space<hbm>>, %arg5: memref<5120xi32, #tpu.memory_space<vmem>>, %arg6: memref<128x128xi32, #tpu.memory_space<vmem>>, %arg7: memref<128x128xi32, #tpu.memory_space<vmem>>, %arg8: memref<!tpu.dma_semaphore, #tpu.memory_space<semaphore_mem>>, %arg9: memref<!tpu.dma_semaphore, #tpu.memory_space<semaphore_mem>>, %arg10: memref<!tpu.dma_semaphore, #tpu.memory_space<semaphore_mem>>, %arg11: memref<!tpu.dma_semaphore, #tpu.memory_space<semaphore_mem>>) attributes {dimension_semantics = [#tpu.dimension_semantics<core_parallel>, #tpu.dimension_semantics<subcore_parallel>], iteration_bounds = array<i64: 2, 16>, scalar_prefetch = 0 : i64, scratch_operands = 7 : i64, tpu.core_type = #tpu.core_type<sc_vector_subcore>, window_params = [{transform_indices = #map}, {transform_indices = #map1}, {transform_indices = #map}]} {
    %mul3A = arith.constant 2 : i32
    %mul3A_0 = arith.muli %arg1, %mul3A : i32
    %add3A = arith.addi %mul3A_0, %arg0 : i32
    %mul3A_1 = arith.constant 5120 : i32
    %mul3A_2 = arith.muli %add3A, %mul3A_1 : i32
    "tpu.region"() ({
      %run_scoped3A = tpu.sem_alloc : memref<!tpu.dma_semaphore, #tpu.memory_space<semaphore_mem>>
      %dma_start3A_17 = tpu.memref_slice %arg3[%mul3A_2] : memref<163840xi32, #tpu.memory_space<hbm>> -> memref<5120xi32, #tpu.memory_space<hbm>>
      %dma_start3A_18 = tpu.memref_slice %arg3[%mul3A_2] : memref<163840xi32, #tpu.memory_space<hbm>> -> memref<5120xi32, #tpu.memory_space<hbm>>
      tpu.enqueue_dma source(%dma_start3A_18 : memref<5120xi32, #tpu.memory_space<hbm>>) target(%arg5 : memref<5120xi32, #tpu.memory_space<vmem>>) target_semaphore(%run_scoped3A : memref<!tpu.dma_semaphore, #tpu.memory_space<semaphore_mem>>)
      %dma_wait3A_19 = tpu.memref_slice %arg3[%mul3A_2] : memref<163840xi32, #tpu.memory_space<hbm>> -> memref<5120xi32, #tpu.memory_space<hbm>>
      %dma_wait3A_20 = tpu.memref_slice %arg3[%mul3A_2] : memref<163840xi32, #tpu.memory_space<hbm>> -> memref<5120xi32, #tpu.memory_space<hbm>>
      tpu.wait_dma2 semaphore(%run_scoped3A : memref<!tpu.dma_semaphore, #tpu.memory_space<semaphore_mem>>) src(%dma_wait3A_20 : memref<5120xi32, #tpu.memory_space<hbm>>) dst(%arg5 : memref<5120xi32, #tpu.memory_space<vmem>>)
      tpu.yield
    }) : () -> ()
    %dma_start3A = arith.constant 0 : i32
    %dma_start3A_3 = tpu.memref_slice %arg5[%dma_start3A] : memref<5120xi32, #tpu.memory_space<vmem>> -> memref<128xi32, #tpu.memory_space<vmem>>
    %dma_start3A_4 = arith.constant 0 : i32
    %dma_start3A_5 = arith.constant 0 : i32
    %dma_start3A_6 = tpu.memref_slice %arg2[%dma_start3A_4, %dma_start3A_5] : memref<10000x128xi32, #tpu.memory_space<hbm>> -> memref<10000x128xi32, #tpu.memory_space<hbm>>
    tpu.enqueue_indirect_dma source(%dma_start3A_6 : memref<10000x128xi32, #tpu.memory_space<hbm>>) target(%arg6 : memref<128x128xi32, #tpu.memory_space<vmem>>) offsets(%dma_start3A_3 : memref<128xi32, #tpu.memory_space<vmem>>) semaphore(%arg8 : memref<!tpu.dma_semaphore, #tpu.memory_space<semaphore_mem>>)
    %scan3A = arith.constant 0 : i32
    %scan3A_7 = arith.constant 0 : i32
    %scan3A_8 = arith.constant 20 : i32
    %scan3A_9 = arith.addi %scan3A_7, %scan3A_8 : i32
    %scan3A_10 = arith.constant 1 : i32
    scf.for %scan3A_17 = %scan3A_7 to %scan3A_9 step %scan3A_10  : i32 {
      %mul3A_18 = arith.constant 2 : i32
      %mul3A_19 = arith.muli %mul3A_18, %scan3A_17 : i32
      %mul3A_20 = arith.constant 128 : i32
      %mul3A_21 = arith.muli %mul3A_19, %mul3A_20 : i32
      %dma_wait3A_22 = tpu.memref_slice %arg5[%mul3A_21] : memref<5120xi32, #tpu.memory_space<vmem>> -> memref<128xi32, #tpu.memory_space<vmem>>
      %dma_wait3A_23 = arith.constant 0 : i32
      %dma_wait3A_24 = arith.constant 0 : i32
      %dma_wait3A_25 = tpu.memref_slice %arg2[%dma_wait3A_23, %dma_wait3A_24] : memref<10000x128xi32, #tpu.memory_space<hbm>> -> memref<10000x128xi32, #tpu.memory_space<hbm>>
      tpu.wait_indirect_dma semaphore(%arg8 : memref<!tpu.dma_semaphore, #tpu.memory_space<semaphore_mem>>) src(%dma_wait3A_25 : memref<10000x128xi32, #tpu.memory_space<hbm>>) dst(%arg6 : memref<128x128xi32, #tpu.memory_space<vmem>>)
      %gt3A = arith.constant 0 : i32
      %gt3A_26 = arith.cmpi sgt, %scan3A_17, %gt3A : i32
      %convert_element_type3A = arith.extui %gt3A_26 : i1 to i32
      %cond3A = arith.constant 0 : i32
      %cond3A_27 = arith.cmpi ne, %convert_element_type3A, %cond3A : i32
      scf.if %cond3A_27 {
        %sub3A = arith.constant 1 : i32
        %sub3A_71 = arith.subi %mul3A_19, %sub3A : i32
        %mul3A_72 = arith.constant 128 : i32
        %mul3A_73 = arith.muli %sub3A_71, %mul3A_72 : i32
        %add3A_74 = arith.addi %mul3A_2, %mul3A_73 : i32
        %dma_wait3A_75 = arith.constant 0 : i32
        %dma_wait3A_76 = tpu.memref_slice %arg4[%add3A_74, %dma_wait3A_75] : memref<163840x128xi32, #tpu.memory_space<hbm>> -> memref<128x128xi32, #tpu.memory_space<hbm>>
        %dma_wait3A_77 = arith.constant 0 : i32
        %dma_wait3A_78 = tpu.memref_slice %arg4[%add3A_74, %dma_wait3A_77] : memref<163840x128xi32, #tpu.memory_space<hbm>> -> memref<128x128xi32, #tpu.memory_space<hbm>>
        tpu.wait_dma2 semaphore(%arg11 : memref<!tpu.dma_semaphore, #tpu.memory_space<semaphore_mem>>) src(%arg7 : memref<128x128xi32, #tpu.memory_space<vmem>>) dst(%dma_wait3A_78 : memref<128x128xi32, #tpu.memory_space<hbm>>)
      } else {
      }
      %add3A_28 = arith.constant 1 : i32
      %add3A_29 = arith.addi %mul3A_19, %add3A_28 : i32
      %mul3A_30 = arith.constant 128 : i32
      %mul3A_31 = arith.muli %add3A_29, %mul3A_30 : i32
      %dma_start3A_32 = tpu.memref_slice %arg5[%mul3A_31] : memref<5120xi32, #tpu.memory_space<vmem>> -> memref<128xi32, #tpu.memory_space<vmem>>
      %dma_start3A_33 = arith.constant 0 : i32
      %dma_start3A_34 = arith.constant 0 : i32
      %dma_start3A_35 = tpu.memref_slice %arg2[%dma_start3A_33, %dma_start3A_34] : memref<10000x128xi32, #tpu.memory_space<hbm>> -> memref<10000x128xi32, #tpu.memory_space<hbm>>
      tpu.enqueue_indirect_dma source(%dma_start3A_35 : memref<10000x128xi32, #tpu.memory_space<hbm>>) target(%arg7 : memref<128x128xi32, #tpu.memory_space<vmem>>) offsets(%dma_start3A_32 : memref<128xi32, #tpu.memory_space<vmem>>) semaphore(%arg9 : memref<!tpu.dma_semaphore, #tpu.memory_space<semaphore_mem>>)
      %mul3A_36 = arith.constant 128 : i32
      %mul3A_37 = arith.muli %mul3A_19, %mul3A_36 : i32
      %add3A_38 = arith.addi %mul3A_2, %mul3A_37 : i32
      %dma_start3A_39 = arith.constant 0 : i32
      %dma_start3A_40 = tpu.memref_slice %arg4[%add3A_38, %dma_start3A_39] : memref<163840x128xi32, #tpu.memory_space<hbm>> -> memref<128x128xi32, #tpu.memory_space<hbm>>
      %dma_start3A_41 = arith.constant 0 : i32
      %dma_start3A_42 = tpu.memref_slice %arg4[%add3A_38, %dma_start3A_41] : memref<163840x128xi32, #tpu.memory_space<hbm>> -> memref<128x128xi32, #tpu.memory_space<hbm>>
      tpu.enqueue_dma source(%arg6 : memref<128x128xi32, #tpu.memory_space<vmem>>) target(%dma_start3A_42 : memref<128x128xi32, #tpu.memory_space<hbm>>) target_semaphore(%arg10 : memref<!tpu.dma_semaphore, #tpu.memory_space<semaphore_mem>>)
      %add3A_43 = arith.constant 1 : i32
      %add3A_44 = arith.addi %mul3A_19, %add3A_43 : i32
      %mul3A_45 = arith.constant 128 : i32
      %mul3A_46 = arith.muli %add3A_44, %mul3A_45 : i32
      %dma_wait3A_47 = tpu.memref_slice %arg5[%mul3A_46] : memref<5120xi32, #tpu.memory_space<vmem>> -> memref<128xi32, #tpu.memory_space<vmem>>
      %dma_wait3A_48 = arith.constant 0 : i32
      %dma_wait3A_49 = arith.constant 0 : i32
      %dma_wait3A_50 = tpu.memref_slice %arg2[%dma_wait3A_48, %dma_wait3A_49] : memref<10000x128xi32, #tpu.memory_space<hbm>> -> memref<10000x128xi32, #tpu.memory_space<hbm>>
      tpu.wait_indirect_dma semaphore(%arg9 : memref<!tpu.dma_semaphore, #tpu.memory_space<semaphore_mem>>) src(%dma_wait3A_50 : memref<10000x128xi32, #tpu.memory_space<hbm>>) dst(%arg7 : memref<128x128xi32, #tpu.memory_space<vmem>>)
      %mul3A_51 = arith.constant 128 : i32
      %mul3A_52 = arith.muli %mul3A_19, %mul3A_51 : i32
      %add3A_53 = arith.addi %mul3A_2, %mul3A_52 : i32
      %dma_wait3A_54 = arith.constant 0 : i32
      %dma_wait3A_55 = tpu.memref_slice %arg4[%add3A_53, %dma_wait3A_54] : memref<163840x128xi32, #tpu.memory_space<hbm>> -> memref<128x128xi32, #tpu.memory_space<hbm>>
      %dma_wait3A_56 = arith.constant 0 : i32
      %dma_wait3A_57 = tpu.memref_slice %arg4[%add3A_53, %dma_wait3A_56] : memref<163840x128xi32, #tpu.memory_space<hbm>> -> memref<128x128xi32, #tpu.memory_space<hbm>>
      tpu.wait_dma2 semaphore(%arg10 : memref<!tpu.dma_semaphore, #tpu.memory_space<semaphore_mem>>) src(%arg6 : memref<128x128xi32, #tpu.memory_space<vmem>>) dst(%dma_wait3A_57 : memref<128x128xi32, #tpu.memory_space<hbm>>)
      %lt3A = arith.constant 19 : i32
      %lt3A_58 = arith.cmpi slt, %scan3A_17, %lt3A : i32
      %convert_element_type3A_59 = arith.extui %lt3A_58 : i1 to i32
      %cond3A_60 = arith.constant 0 : i32
      %cond3A_61 = arith.cmpi ne, %convert_element_type3A_59, %cond3A_60 : i32
      scf.if %cond3A_61 {
        %add3A_71 = arith.constant 2 : i32
        %add3A_72 = arith.addi %mul3A_19, %add3A_71 : i32
        %mul3A_73 = arith.constant 128 : i32
        %mul3A_74 = arith.muli %add3A_72, %mul3A_73 : i32
        %dma_start3A_75 = tpu.memref_slice %arg5[%mul3A_74] : memref<5120xi32, #tpu.memory_space<vmem>> -> memref<128xi32, #tpu.memory_space<vmem>>
        %dma_start3A_76 = arith.constant 0 : i32
        %dma_start3A_77 = arith.constant 0 : i32
        %dma_start3A_78 = tpu.memref_slice %arg2[%dma_start3A_76, %dma_start3A_77] : memref<10000x128xi32, #tpu.memory_space<hbm>> -> memref<10000x128xi32, #tpu.memory_space<hbm>>
        tpu.enqueue_indirect_dma source(%dma_start3A_78 : memref<10000x128xi32, #tpu.memory_space<hbm>>) target(%arg6 : memref<128x128xi32, #tpu.memory_space<vmem>>) offsets(%dma_start3A_75 : memref<128xi32, #tpu.memory_space<vmem>>) semaphore(%arg8 : memref<!tpu.dma_semaphore, #tpu.memory_space<semaphore_mem>>)
      } else {
      }
      %add3A_62 = arith.constant 1 : i32
      %add3A_63 = arith.addi %mul3A_19, %add3A_62 : i32
      %mul3A_64 = arith.constant 128 : i32
      %mul3A_65 = arith.muli %add3A_63, %mul3A_64 : i32
      %add3A_66 = arith.addi %mul3A_2, %mul3A_65 : i32
      %dma_start3A_67 = arith.constant 0 : i32
      %dma_start3A_68 = tpu.memref_slice %arg4[%add3A_66, %dma_start3A_67] : memref<163840x128xi32, #tpu.memory_space<hbm>> -> memref<128x128xi32, #tpu.memory_space<hbm>>
      %dma_start3A_69 = arith.constant 0 : i32
      %dma_start3A_70 = tpu.memref_slice %arg4[%add3A_66, %dma_start3A_69] : memref<163840x128xi32, #tpu.memory_space<hbm>> -> memref<128x128xi32, #tpu.memory_space<hbm>>
      tpu.enqueue_dma source(%arg7 : memref<128x128xi32, #tpu.memory_space<vmem>>) target(%dma_start3A_70 : memref<128x128xi32, #tpu.memory_space<hbm>>) target_semaphore(%arg11 : memref<!tpu.dma_semaphore, #tpu.memory_space<semaphore_mem>>)
    }
    %scan3A_11 = arith.constant 20 : i32
    %add3A_12 = arith.constant 4992 : i32
    %add3A_13 = arith.addi %mul3A_2, %add3A_12 : i32
    %dma_wait3A = arith.constant 0 : i32
    %dma_wait3A_14 = tpu.memref_slice %arg4[%add3A_13, %dma_wait3A] : memref<163840x128xi32, #tpu.memory_space<hbm>> -> memref<128x128xi32, #tpu.memory_space<hbm>>
    %dma_wait3A_15 = arith.constant 0 : i32
    %dma_wait3A_16 = tpu.memref_slice %arg4[%add3A_13, %dma_wait3A_15] : memref<163840x128xi32, #tpu.memory_space<hbm>> -> memref<128x128xi32, #tpu.memory_space<hbm>>
    tpu.wait_dma2 semaphore(%arg11 : memref<!tpu.dma_semaphore, #tpu.memory_space<semaphore_mem>>) src(%arg7 : memref<128x128xi32, #tpu.memory_space<vmem>>) dst(%dma_wait3A_16 : memref<128x128xi32, #tpu.memory_space<hbm>>)
    return
  }
}

module attributes {stable_mosaic.version = 14 : i64} {
  func.func @_tc_body(%arg0: i32, %arg1: memref<16x200x128xi32, #tpu.memory_space<vmem>>, %arg2: memref<200x128xf32, #tpu.memory_space<vmem>>, %arg3: memref<200x1024xf32, #tpu.memory_space<vmem>>, %arg4: memref<200x16xf32, #tpu.memory_space<vmem>>, %arg5: memref<200x8xf32, #tpu.memory_space<vmem>>, %arg6: memref<128x1008xf32, #tpu.memory_space<vmem>>, %arg7: memref<128x528xf32, #tpu.memory_space<vmem>>, %arg8: memref<64x12xf32, #tpu.memory_space<vmem>>, %arg9: memref<1344x128xf32, #tpu.memory_space<vmem>>, %arg10: memref<1x128xf32, #tpu.memory_space<vmem>>, %arg11: memref<1x128xf32, #tpu.memory_space<vmem>>, %arg12: memref<1x128xf32, #tpu.memory_space<vmem>>, %arg13: memref<192x12xf32, #tpu.memory_space<vmem>>, %arg14: memref<48x12xf32, #tpu.memory_space<vmem>>, %arg15: memref<8x192xf32, #tpu.memory_space<vmem>>, %arg16: memref<64x768xf32, #tpu.memory_space<vmem>>, %arg17: memref<12x1536xf32, #tpu.memory_space<vmem>>, %arg18: memref<12x1120xf32, #tpu.memory_space<vmem>>, %arg19: memref<200x128xf32, #tpu.memory_space<vmem>>) attributes {dimension_semantics = [#tpu.dimension_semantics<arbitrary>], iteration_bounds = array<i64: 50>, scalar_prefetch = 0 : i64, scratch_operands = 0 : i64, tpu.core_type = #tpu.core_type<tc>, window_params = [{transform_indices = @transform_0, window_bounds = array<i64: 16, 200, 128>}, {transform_indices = @transform_1, window_bounds = array<i64: 200, 128>}, {transform_indices = @transform_2, window_bounds = array<i64: 200, 1024>}, {transform_indices = @transform_3, window_bounds = array<i64: 200, 16>}, {transform_indices = @transform_4, window_bounds = array<i64: 200, 8>}, {pipeline_mode = #tpu.pipeline_mode<synchronous>, transform_indices = @transform_5, window_bounds = array<i64: 128, 1008>}, {pipeline_mode = #tpu.pipeline_mode<synchronous>, transform_indices = @transform_6, window_bounds = array<i64: 128, 528>}, {pipeline_mode = #tpu.pipeline_mode<synchronous>, transform_indices = @transform_7, window_bounds = array<i64: 64, 12>}, {pipeline_mode = #tpu.pipeline_mode<synchronous>, transform_indices = @transform_8, window_bounds = array<i64: 1344, 128>}, {pipeline_mode = #tpu.pipeline_mode<synchronous>, transform_indices = @transform_9, window_bounds = array<i64: 1, 128>}, {pipeline_mode = #tpu.pipeline_mode<synchronous>, transform_indices = @transform_10, window_bounds = array<i64: 1, 128>}, {pipeline_mode = #tpu.pipeline_mode<synchronous>, transform_indices = @transform_11, window_bounds = array<i64: 1, 128>}, {pipeline_mode = #tpu.pipeline_mode<synchronous>, transform_indices = @transform_12, window_bounds = array<i64: 192, 12>}, {pipeline_mode = #tpu.pipeline_mode<synchronous>, transform_indices = @transform_13, window_bounds = array<i64: 48, 12>}, {pipeline_mode = #tpu.pipeline_mode<synchronous>, transform_indices = @transform_14, window_bounds = array<i64: 8, 192>}, {pipeline_mode = #tpu.pipeline_mode<synchronous>, transform_indices = @transform_15, window_bounds = array<i64: 64, 768>}, {pipeline_mode = #tpu.pipeline_mode<synchronous>, transform_indices = @transform_16, window_bounds = array<i64: 12, 1536>}, {pipeline_mode = #tpu.pipeline_mode<synchronous>, transform_indices = @transform_17, window_bounds = array<i64: 12, 1120>}, {transform_indices = @transform_18, window_bounds = array<i64: 200, 128>}]} {
    %get3A = arith.constant 0 : index
    %get3A_0 = arith.constant 0 : index
    %get3A_1 = vector.load %arg2[%get3A, %get3A_0] : memref<200x128xf32, #tpu.memory_space<vmem>>, vector<200x128xf32>
    %get3A_2 = arith.constant 0 : index
    %get3A_3 = arith.constant 0 : index
    %get3A_4 = vector.load %arg4[%get3A_2, %get3A_3] : memref<200x16xf32, #tpu.memory_space<vmem>>, vector<200x16xf32>
    %get3A_5 = arith.constant 0 : index
    %get3A_6 = arith.constant 0 : index
    %get3A_7 = arith.constant 0 : index
    %get3A_8 = vector.load %arg1[%get3A_5, %get3A_6, %get3A_7] : memref<16x200x128xi32, #tpu.memory_space<vmem>>, vector<16x200x128xi32>
    %reshape3A = vector.shape_cast %get3A_8 : vector<16x200x128xi32> to vector<3200x128xi32>
    %shift_left3A = arith.constant 16 : i32
    %shift_left3A_9 = vector.broadcast %shift_left3A : i32 to vector<3200x128xi32>
    %shift_left3A_10 = arith.shli %reshape3A, %shift_left3A_9 : vector<3200x128xi32>
    %bitcast_convert_type3A = tpu.bitcast %shift_left3A_10 : vector<3200x128xi32> -> vector<3200x128xf32>
    %and3A = arith.constant -65536 : i32
    %and3A_11 = vector.broadcast %and3A : i32 to vector<3200x128xi32>
    %and3A_12 = arith.andi %reshape3A, %and3A_11 : vector<3200x128xi32>
    %bitcast_convert_type3A_13 = tpu.bitcast %and3A_12 : vector<3200x128xi32> -> vector<3200x128xf32>
    %slice3A = vector.extract_strided_slice %bitcast_convert_type3A_13 {offsets = [0, 0], sizes = [3200, 12], strides = [1, 1]} : vector<3200x128xf32> to vector<3200x12xf32>
    %slice3A_14 = vector.extract_strided_slice %bitcast_convert_type3A_13 {offsets = [0, 12], sizes = [3200, 8], strides = [1, 1]} : vector<3200x128xf32> to vector<3200x8xf32>
    %get3A_15 = arith.constant 0 : index
    %get3A_16 = arith.constant 0 : index
    %get3A_17 = vector.load %arg6[%get3A_15, %get3A_16] : memref<128x1008xf32, #tpu.memory_space<vmem>>, vector<128x1008xf32>
    %dot_general3A = arith.constant dense<0.000000e+00> : vector<3200x1008xf32>
    %dot_general3A_18 = tpu.matmul %bitcast_convert_type3A, %get3A_17, %dot_general3A {dimension_numbers = #tpu.dot_dimension_numbers<[1], [0], [0], [1], [0, 0, 1, 1], [], []>, transpose_lhs_hint = false} : vector<3200x128xf32>, vector<128x1008xf32>, vector<3200x1008xf32> -> vector<3200x1008xf32>
    %cos3A = math.cos %slice3A_14 : vector<3200x8xf32>
    %get3A_19 = arith.constant 0 : index
    %get3A_20 = arith.constant 0 : index
    %get3A_21 = vector.load %arg15[%get3A_19, %get3A_20] : memref<8x192xf32, #tpu.memory_space<vmem>>, vector<8x192xf32>
    %dot_general3A_22 = arith.constant dense<0.000000e+00> : vector<3200x192xf32>
    %dot_general3A_23 = tpu.matmul %cos3A, %get3A_21, %dot_general3A_22 {dimension_numbers = #tpu.dot_dimension_numbers<[1], [0], [0], [1], [0, 0, 1, 1], [], []>, transpose_lhs_hint = false} : vector<3200x8xf32>, vector<8x192xf32>, vector<3200x192xf32> -> vector<3200x192xf32>
    %sin3A = math.sin %slice3A_14 : vector<3200x8xf32>
    %get3A_24 = arith.constant 0 : index
    %get3A_25 = arith.constant 0 : index
    %get3A_26 = vector.load %arg15[%get3A_24, %get3A_25] : memref<8x192xf32, #tpu.memory_space<vmem>>, vector<8x192xf32>
    %dot_general3A_27 = arith.constant dense<0.000000e+00> : vector<3200x192xf32>
    %dot_general3A_28 = tpu.matmul %sin3A, %get3A_26, %dot_general3A_27 {dimension_numbers = #tpu.dot_dimension_numbers<[1], [0], [0], [1], [0, 0, 1, 1], [], []>, transpose_lhs_hint = false} : vector<3200x8xf32>, vector<8x192xf32>, vector<3200x192xf32> -> vector<3200x192xf32>
    %slice3A_29 = vector.extract_strided_slice %dot_general3A_18 {offsets = [0, 0], sizes = [3200, 192], strides = [1, 1]} : vector<3200x1008xf32> to vector<3200x192xf32>
    %mul3A = arith.mulf %slice3A_29, %dot_general3A_23 : vector<3200x192xf32>
    %slice3A_30 = vector.extract_strided_slice %dot_general3A_18 {offsets = [0, 816], sizes = [3200, 192], strides = [1, 1]} : vector<3200x1008xf32> to vector<3200x192xf32>
    %mul3A_31 = arith.mulf %slice3A_30, %dot_general3A_28 : vector<3200x192xf32>
    %add3A = arith.addf %mul3A, %mul3A_31 : vector<3200x192xf32>
    %get3A_32 = arith.constant 0 : index
    %get3A_33 = arith.constant 0 : index
    %get3A_34 = vector.load %arg7[%get3A_32, %get3A_33] : memref<128x528xf32, #tpu.memory_space<vmem>>, vector<128x528xf32>
    %dot_general3A_35 = arith.constant dense<0.000000e+00> : vector<200x528xf32>
    %dot_general3A_36 = tpu.matmul %get3A_1, %get3A_34, %dot_general3A_35 {dimension_numbers = #tpu.dot_dimension_numbers<[1], [0], [0], [1], [0, 0, 1, 1], [], []>, transpose_lhs_hint = false} : vector<200x128xf32>, vector<128x528xf32>, vector<200x528xf32> -> vector<200x528xf32>
    %get3A_37 = arith.constant 0 : index
    %get3A_38 = arith.constant 0 : index
    %get3A_39 = vector.load %arg5[%get3A_37, %get3A_38] : memref<200x8xf32, #tpu.memory_space<vmem>>, vector<200x8xf32>
    %cos3A_40 = math.cos %get3A_39 : vector<200x8xf32>
    %get3A_41 = arith.constant 0 : index
    %get3A_42 = arith.constant 0 : index
    %get3A_43 = vector.load %arg15[%get3A_41, %get3A_42] : memref<8x192xf32, #tpu.memory_space<vmem>>, vector<8x192xf32>
    %dot_general3A_44 = arith.constant dense<0.000000e+00> : vector<200x192xf32>
    %dot_general3A_45 = tpu.matmul %cos3A_40, %get3A_43, %dot_general3A_44 {dimension_numbers = #tpu.dot_dimension_numbers<[1], [0], [0], [1], [0, 0, 1, 1], [], []>, transpose_lhs_hint = false} : vector<200x8xf32>, vector<8x192xf32>, vector<200x192xf32> -> vector<200x192xf32>
    %get3A_46 = arith.constant 0 : index
    %get3A_47 = arith.constant 0 : index
    %get3A_48 = vector.load %arg5[%get3A_46, %get3A_47] : memref<200x8xf32, #tpu.memory_space<vmem>>, vector<200x8xf32>
    %sin3A_49 = math.sin %get3A_48 : vector<200x8xf32>
    %get3A_50 = arith.constant 0 : index
    %get3A_51 = arith.constant 0 : index
    %get3A_52 = vector.load %arg15[%get3A_50, %get3A_51] : memref<8x192xf32, #tpu.memory_space<vmem>>, vector<8x192xf32>
    %dot_general3A_53 = arith.constant dense<0.000000e+00> : vector<200x192xf32>
    %dot_general3A_54 = tpu.matmul %sin3A_49, %get3A_52, %dot_general3A_53 {dimension_numbers = #tpu.dot_dimension_numbers<[1], [0], [0], [1], [0, 0, 1, 1], [], []>, transpose_lhs_hint = false} : vector<200x8xf32>, vector<8x192xf32>, vector<200x192xf32> -> vector<200x192xf32>
    %slice3A_55 = vector.extract_strided_slice %dot_general3A_36 {offsets = [0, 0], sizes = [200, 192], strides = [1, 1]} : vector<200x528xf32> to vector<200x192xf32>
    %mul3A_56 = arith.mulf %slice3A_55, %dot_general3A_45 : vector<200x192xf32>
    %slice3A_57 = vector.extract_strided_slice %dot_general3A_36 {offsets = [0, 192], sizes = [200, 192], strides = [1, 1]} : vector<200x528xf32> to vector<200x192xf32>
    %mul3A_58 = arith.mulf %slice3A_57, %dot_general3A_54 : vector<200x192xf32>
    %add3A_59 = arith.addf %mul3A_56, %mul3A_58 : vector<200x192xf32>
    %concatenate3A = tpu.concatenate %add3A_59, %add3A_59, %add3A_59, %add3A_59, %add3A_59, %add3A_59, %add3A_59, %add3A_59, %add3A_59, %add3A_59, %add3A_59, %add3A_59, %add3A_59, %add3A_59, %add3A_59, %add3A_59 in 0 : vector<200x192xf32>, vector<200x192xf32>, vector<200x192xf32>, vector<200x192xf32>, vector<200x192xf32>, vector<200x192xf32>, vector<200x192xf32>, vector<200x192xf32>, vector<200x192xf32>, vector<200x192xf32>, vector<200x192xf32>, vector<200x192xf32>, vector<200x192xf32>, vector<200x192xf32>, vector<200x192xf32>, vector<200x192xf32> -> vector<3200x192xf32>
    %concatenate3A_60 = tpu.concatenate %dot_general3A_36, %dot_general3A_36, %dot_general3A_36, %dot_general3A_36, %dot_general3A_36, %dot_general3A_36, %dot_general3A_36, %dot_general3A_36, %dot_general3A_36, %dot_general3A_36, %dot_general3A_36, %dot_general3A_36, %dot_general3A_36, %dot_general3A_36, %dot_general3A_36, %dot_general3A_36 in 0 : vector<200x528xf32>, vector<200x528xf32>, vector<200x528xf32>, vector<200x528xf32>, vector<200x528xf32>, vector<200x528xf32>, vector<200x528xf32>, vector<200x528xf32>, vector<200x528xf32>, vector<200x528xf32>, vector<200x528xf32>, vector<200x528xf32>, vector<200x528xf32>, vector<200x528xf32>, vector<200x528xf32>, vector<200x528xf32> -> vector<3200x528xf32>
    %get3A_61 = arith.constant 0 : index
    %get3A_62 = arith.constant 0 : index
    %get3A_63 = vector.load %arg17[%get3A_61, %get3A_62] : memref<12x1536xf32, #tpu.memory_space<vmem>>, vector<12x1536xf32>
    %dot_general3A_64 = arith.constant dense<0.000000e+00> : vector<3200x1536xf32>
    %dot_general3A_65 = tpu.matmul %slice3A, %get3A_63, %dot_general3A_64 {dimension_numbers = #tpu.dot_dimension_numbers<[1], [0], [0], [1], [0, 0, 1, 1], [], []>, transpose_lhs_hint = false} : vector<3200x12xf32>, vector<12x1536xf32>, vector<3200x1536xf32> -> vector<3200x1536xf32>
    %slice3A_66 = vector.extract_strided_slice %concatenate3A_60 {offsets = [0, 384], sizes = [3200, 48], strides = [1, 1]} : vector<3200x528xf32> to vector<3200x48xf32>
    %slice3A_67 = vector.extract_strided_slice %dot_general3A_18 {offsets = [0, 384], sizes = [3200, 48], strides = [1, 1]} : vector<3200x1008xf32> to vector<3200x48xf32>
    %sub3A = arith.subf %slice3A_66, %slice3A_67 : vector<3200x48xf32>
    %slice3A_68 = vector.extract_strided_slice %concatenate3A_60 {offsets = [0, 432], sizes = [3200, 48], strides = [1, 1]} : vector<3200x528xf32> to vector<3200x48xf32>
    %slice3A_69 = vector.extract_strided_slice %dot_general3A_18 {offsets = [0, 432], sizes = [3200, 48], strides = [1, 1]} : vector<3200x1008xf32> to vector<3200x48xf32>
    %sub3A_70 = arith.subf %slice3A_68, %slice3A_69 : vector<3200x48xf32>
    %slice3A_71 = vector.extract_strided_slice %concatenate3A_60 {offsets = [0, 480], sizes = [3200, 48], strides = [1, 1]} : vector<3200x528xf32> to vector<3200x48xf32>
    %slice3A_72 = vector.extract_strided_slice %dot_general3A_18 {offsets = [0, 480], sizes = [3200, 48], strides = [1, 1]} : vector<3200x1008xf32> to vector<3200x48xf32>
    %sub3A_73 = arith.subf %slice3A_71, %slice3A_72 : vector<3200x48xf32>
    %slice3A_74 = vector.extract_strided_slice %get3A_4 {offsets = [0, 0], sizes = [200, 1], strides = [1, 1]} : vector<200x16xf32> to vector<200x1xf32>
    %slice3A_75 = vector.extract_strided_slice %get3A_4 {offsets = [0, 0], sizes = [200, 1], strides = [1, 1]} : vector<200x16xf32> to vector<200x1xf32>
    %mul3A_76 = arith.mulf %slice3A_74, %slice3A_75 : vector<200x1xf32>
    %slice3A_77 = vector.extract_strided_slice %get3A_4 {offsets = [0, 4], sizes = [200, 1], strides = [1, 1]} : vector<200x16xf32> to vector<200x1xf32>
    %slice3A_78 = vector.extract_strided_slice %get3A_4 {offsets = [0, 4], sizes = [200, 1], strides = [1, 1]} : vector<200x16xf32> to vector<200x1xf32>
    %mul3A_79 = arith.mulf %slice3A_77, %slice3A_78 : vector<200x1xf32>
    %add3A_80 = arith.addf %mul3A_76, %mul3A_79 : vector<200x1xf32>
    %slice3A_81 = vector.extract_strided_slice %get3A_4 {offsets = [0, 8], sizes = [200, 1], strides = [1, 1]} : vector<200x16xf32> to vector<200x1xf32>
    %slice3A_82 = vector.extract_strided_slice %get3A_4 {offsets = [0, 8], sizes = [200, 1], strides = [1, 1]} : vector<200x16xf32> to vector<200x1xf32>
    %mul3A_83 = arith.mulf %slice3A_81, %slice3A_82 : vector<200x1xf32>
    %add3A_84 = arith.addf %add3A_80, %mul3A_83 : vector<200x1xf32>
    %slice3A_85 = vector.extract_strided_slice %get3A_4 {offsets = [0, 1], sizes = [200, 1], strides = [1, 1]} : vector<200x16xf32> to vector<200x1xf32>
    %slice3A_86 = vector.extract_strided_slice %get3A_4 {offsets = [0, 1], sizes = [200, 1], strides = [1, 1]} : vector<200x16xf32> to vector<200x1xf32>
    %mul3A_87 = arith.mulf %slice3A_85, %slice3A_86 : vector<200x1xf32>
    %slice3A_88 = vector.extract_strided_slice %get3A_4 {offsets = [0, 5], sizes = [200, 1], strides = [1, 1]} : vector<200x16xf32> to vector<200x1xf32>
    %slice3A_89 = vector.extract_strided_slice %get3A_4 {offsets = [0, 5], sizes = [200, 1], strides = [1, 1]} : vector<200x16xf32> to vector<200x1xf32>
    %mul3A_90 = arith.mulf %slice3A_88, %slice3A_89 : vector<200x1xf32>
    %add3A_91 = arith.addf %mul3A_87, %mul3A_90 : vector<200x1xf32>
    %slice3A_92 = vector.extract_strided_slice %get3A_4 {offsets = [0, 9], sizes = [200, 1], strides = [1, 1]} : vector<200x16xf32> to vector<200x1xf32>
    %slice3A_93 = vector.extract_strided_slice %get3A_4 {offsets = [0, 9], sizes = [200, 1], strides = [1, 1]} : vector<200x16xf32> to vector<200x1xf32>
    %mul3A_94 = arith.mulf %slice3A_92, %slice3A_93 : vector<200x1xf32>
    %add3A_95 = arith.addf %add3A_91, %mul3A_94 : vector<200x1xf32>
    %slice3A_96 = vector.extract_strided_slice %get3A_4 {offsets = [0, 2], sizes = [200, 1], strides = [1, 1]} : vector<200x16xf32> to vector<200x1xf32>
    %slice3A_97 = vector.extract_strided_slice %get3A_4 {offsets = [0, 2], sizes = [200, 1], strides = [1, 1]} : vector<200x16xf32> to vector<200x1xf32>
    %mul3A_98 = arith.mulf %slice3A_96, %slice3A_97 : vector<200x1xf32>
    %slice3A_99 = vector.extract_strided_slice %get3A_4 {offsets = [0, 6], sizes = [200, 1], strides = [1, 1]} : vector<200x16xf32> to vector<200x1xf32>
    %slice3A_100 = vector.extract_strided_slice %get3A_4 {offsets = [0, 6], sizes = [200, 1], strides = [1, 1]} : vector<200x16xf32> to vector<200x1xf32>
    %mul3A_101 = arith.mulf %slice3A_99, %slice3A_100 : vector<200x1xf32>
    %add3A_102 = arith.addf %mul3A_98, %mul3A_101 : vector<200x1xf32>
    %slice3A_103 = vector.extract_strided_slice %get3A_4 {offsets = [0, 10], sizes = [200, 1], strides = [1, 1]} : vector<200x16xf32> to vector<200x1xf32>
    %slice3A_104 = vector.extract_strided_slice %get3A_4 {offsets = [0, 10], sizes = [200, 1], strides = [1, 1]} : vector<200x16xf32> to vector<200x1xf32>
    %mul3A_105 = arith.mulf %slice3A_103, %slice3A_104 : vector<200x1xf32>
    %add3A_106 = arith.addf %add3A_102, %mul3A_105 : vector<200x1xf32>
    %slice3A_107 = vector.extract_strided_slice %get3A_4 {offsets = [0, 0], sizes = [200, 1], strides = [1, 1]} : vector<200x16xf32> to vector<200x1xf32>
    %slice3A_108 = vector.extract_strided_slice %get3A_4 {offsets = [0, 1], sizes = [200, 1], strides = [1, 1]} : vector<200x16xf32> to vector<200x1xf32>
    %mul3A_109 = arith.mulf %slice3A_107, %slice3A_108 : vector<200x1xf32>
    %slice3A_110 = vector.extract_strided_slice %get3A_4 {offsets = [0, 4], sizes = [200, 1], strides = [1, 1]} : vector<200x16xf32> to vector<200x1xf32>
    %slice3A_111 = vector.extract_strided_slice %get3A_4 {offsets = [0, 5], sizes = [200, 1], strides = [1, 1]} : vector<200x16xf32> to vector<200x1xf32>
    %mul3A_112 = arith.mulf %slice3A_110, %slice3A_111 : vector<200x1xf32>
    %add3A_113 = arith.addf %mul3A_109, %mul3A_112 : vector<200x1xf32>
    %slice3A_114 = vector.extract_strided_slice %get3A_4 {offsets = [0, 8], sizes = [200, 1], strides = [1, 1]} : vector<200x16xf32> to vector<200x1xf32>
    %slice3A_115 = vector.extract_strided_slice %get3A_4 {offsets = [0, 9], sizes = [200, 1], strides = [1, 1]} : vector<200x16xf32> to vector<200x1xf32>
    %mul3A_116 = arith.mulf %slice3A_114, %slice3A_115 : vector<200x1xf32>
    %add3A_117 = arith.addf %add3A_113, %mul3A_116 : vector<200x1xf32>
    %slice3A_118 = vector.extract_strided_slice %get3A_4 {offsets = [0, 0], sizes = [200, 1], strides = [1, 1]} : vector<200x16xf32> to vector<200x1xf32>
    %slice3A_119 = vector.extract_strided_slice %get3A_4 {offsets = [0, 2], sizes = [200, 1], strides = [1, 1]} : vector<200x16xf32> to vector<200x1xf32>
    %mul3A_120 = arith.mulf %slice3A_118, %slice3A_119 : vector<200x1xf32>
    %slice3A_121 = vector.extract_strided_slice %get3A_4 {offsets = [0, 4], sizes = [200, 1], strides = [1, 1]} : vector<200x16xf32> to vector<200x1xf32>
    %slice3A_122 = vector.extract_strided_slice %get3A_4 {offsets = [0, 6], sizes = [200, 1], strides = [1, 1]} : vector<200x16xf32> to vector<200x1xf32>
    %mul3A_123 = arith.mulf %slice3A_121, %slice3A_122 : vector<200x1xf32>
    %add3A_124 = arith.addf %mul3A_120, %mul3A_123 : vector<200x1xf32>
    %slice3A_125 = vector.extract_strided_slice %get3A_4 {offsets = [0, 8], sizes = [200, 1], strides = [1, 1]} : vector<200x16xf32> to vector<200x1xf32>
    %slice3A_126 = vector.extract_strided_slice %get3A_4 {offsets = [0, 10], sizes = [200, 1], strides = [1, 1]} : vector<200x16xf32> to vector<200x1xf32>
    %mul3A_127 = arith.mulf %slice3A_125, %slice3A_126 : vector<200x1xf32>
    %add3A_128 = arith.addf %add3A_124, %mul3A_127 : vector<200x1xf32>
    %slice3A_129 = vector.extract_strided_slice %get3A_4 {offsets = [0, 1], sizes = [200, 1], strides = [1, 1]} : vector<200x16xf32> to vector<200x1xf32>
    %slice3A_130 = vector.extract_strided_slice %get3A_4 {offsets = [0, 2], sizes = [200, 1], strides = [1, 1]} : vector<200x16xf32> to vector<200x1xf32>
    %mul3A_131 = arith.mulf %slice3A_129, %slice3A_130 : vector<200x1xf32>
    %slice3A_132 = vector.extract_strided_slice %get3A_4 {offsets = [0, 5], sizes = [200, 1], strides = [1, 1]} : vector<200x16xf32> to vector<200x1xf32>
    %slice3A_133 = vector.extract_strided_slice %get3A_4 {offsets = [0, 6], sizes = [200, 1], strides = [1, 1]} : vector<200x16xf32> to vector<200x1xf32>
    %mul3A_134 = arith.mulf %slice3A_132, %slice3A_133 : vector<200x1xf32>
    %add3A_135 = arith.addf %mul3A_131, %mul3A_134 : vector<200x1xf32>
    %slice3A_136 = vector.extract_strided_slice %get3A_4 {offsets = [0, 9], sizes = [200, 1], strides = [1, 1]} : vector<200x16xf32> to vector<200x1xf32>
    %slice3A_137 = vector.extract_strided_slice %get3A_4 {offsets = [0, 10], sizes = [200, 1], strides = [1, 1]} : vector<200x16xf32> to vector<200x1xf32>
    %mul3A_138 = arith.mulf %slice3A_136, %slice3A_137 : vector<200x1xf32>
    %add3A_139 = arith.addf %add3A_135, %mul3A_138 : vector<200x1xf32>
    %mul3A_140 = arith.constant 2.000000e+00 : f32
    %mul3A_141 = vector.broadcast %mul3A_140 : f32 to vector<200x1xf32>
    %mul3A_142 = arith.mulf %mul3A_141, %add3A_117 : vector<200x1xf32>
    %mul3A_143 = arith.constant 2.000000e+00 : f32
    %mul3A_144 = vector.broadcast %mul3A_143 : f32 to vector<200x1xf32>
    %mul3A_145 = arith.mulf %mul3A_144, %add3A_128 : vector<200x1xf32>
    %mul3A_146 = arith.constant 2.000000e+00 : f32
    %mul3A_147 = vector.broadcast %mul3A_146 : f32 to vector<200x1xf32>
    %mul3A_148 = arith.mulf %mul3A_147, %add3A_139 : vector<200x1xf32>
    %concatenate3A_149 = tpu.concatenate %add3A_84, %add3A_95, %add3A_106, %mul3A_142, %mul3A_145, %mul3A_148 in 1 : vector<200x1xf32>, vector<200x1xf32>, vector<200x1xf32>, vector<200x1xf32>, vector<200x1xf32>, vector<200x1xf32> -> vector<200x6xf32>
    %concatenate3A_150 = tpu.concatenate %concatenate3A_149, %concatenate3A_149, %concatenate3A_149, %concatenate3A_149, %concatenate3A_149, %concatenate3A_149, %concatenate3A_149, %concatenate3A_149, %concatenate3A_149, %concatenate3A_149, %concatenate3A_149, %concatenate3A_149, %concatenate3A_149, %concatenate3A_149, %concatenate3A_149, %concatenate3A_149 in 0 : vector<200x6xf32>, vector<200x6xf32>, vector<200x6xf32>, vector<200x6xf32>, vector<200x6xf32>, vector<200x6xf32>, vector<200x6xf32>, vector<200x6xf32>, vector<200x6xf32>, vector<200x6xf32>, vector<200x6xf32>, vector<200x6xf32>, vector<200x6xf32>, vector<200x6xf32>, vector<200x6xf32>, vector<200x6xf32> -> vector<3200x6xf32>
    %get3A_151 = arith.constant 0 : index
    %get3A_152 = arith.constant 0 : index
    %get3A_153 = vector.load %arg3[%get3A_151, %get3A_152] : memref<200x1024xf32, #tpu.memory_space<vmem>>, vector<200x1024xf32>
    %slice3A_154 = vector.extract_strided_slice %get3A_153 {offsets = [0, 0], sizes = [200, 64], strides = [1, 1]} : vector<200x1024xf32> to vector<200x64xf32>
    %slice3A_155 = vector.extract_strided_slice %get3A_153 {offsets = [0, 64], sizes = [200, 64], strides = [1, 1]} : vector<200x1024xf32> to vector<200x64xf32>
    %slice3A_156 = vector.extract_strided_slice %get3A_153 {offsets = [0, 128], sizes = [200, 64], strides = [1, 1]} : vector<200x1024xf32> to vector<200x64xf32>
    %slice3A_157 = vector.extract_strided_slice %get3A_153 {offsets = [0, 192], sizes = [200, 64], strides = [1, 1]} : vector<200x1024xf32> to vector<200x64xf32>
    %slice3A_158 = vector.extract_strided_slice %get3A_153 {offsets = [0, 256], sizes = [200, 64], strides = [1, 1]} : vector<200x1024xf32> to vector<200x64xf32>
    %slice3A_159 = vector.extract_strided_slice %get3A_153 {offsets = [0, 320], sizes = [200, 64], strides = [1, 1]} : vector<200x1024xf32> to vector<200x64xf32>
    %slice3A_160 = vector.extract_strided_slice %get3A_153 {offsets = [0, 384], sizes = [200, 64], strides = [1, 1]} : vector<200x1024xf32> to vector<200x64xf32>
    %slice3A_161 = vector.extract_strided_slice %get3A_153 {offsets = [0, 448], sizes = [200, 64], strides = [1, 1]} : vector<200x1024xf32> to vector<200x64xf32>
    %slice3A_162 = vector.extract_strided_slice %get3A_153 {offsets = [0, 512], sizes = [200, 64], strides = [1, 1]} : vector<200x1024xf32> to vector<200x64xf32>
    %slice3A_163 = vector.extract_strided_slice %get3A_153 {offsets = [0, 576], sizes = [200, 64], strides = [1, 1]} : vector<200x1024xf32> to vector<200x64xf32>
    %slice3A_164 = vector.extract_strided_slice %get3A_153 {offsets = [0, 640], sizes = [200, 64], strides = [1, 1]} : vector<200x1024xf32> to vector<200x64xf32>
    %slice3A_165 = vector.extract_strided_slice %get3A_153 {offsets = [0, 704], sizes = [200, 64], strides = [1, 1]} : vector<200x1024xf32> to vector<200x64xf32>
    %slice3A_166 = vector.extract_strided_slice %get3A_153 {offsets = [0, 768], sizes = [200, 64], strides = [1, 1]} : vector<200x1024xf32> to vector<200x64xf32>
    %slice3A_167 = vector.extract_strided_slice %get3A_153 {offsets = [0, 832], sizes = [200, 64], strides = [1, 1]} : vector<200x1024xf32> to vector<200x64xf32>
    %slice3A_168 = vector.extract_strided_slice %get3A_153 {offsets = [0, 896], sizes = [200, 64], strides = [1, 1]} : vector<200x1024xf32> to vector<200x64xf32>
    %slice3A_169 = vector.extract_strided_slice %get3A_153 {offsets = [0, 960], sizes = [200, 64], strides = [1, 1]} : vector<200x1024xf32> to vector<200x64xf32>
    %concatenate3A_170 = tpu.concatenate %slice3A_154, %slice3A_155, %slice3A_156, %slice3A_157, %slice3A_158, %slice3A_159, %slice3A_160, %slice3A_161, %slice3A_162, %slice3A_163, %slice3A_164, %slice3A_165, %slice3A_166, %slice3A_167, %slice3A_168, %slice3A_169 in 0 : vector<200x64xf32>, vector<200x64xf32>, vector<200x64xf32>, vector<200x64xf32>, vector<200x64xf32>, vector<200x64xf32>, vector<200x64xf32>, vector<200x64xf32>, vector<200x64xf32>, vector<200x64xf32>, vector<200x64xf32>, vector<200x64xf32>, vector<200x64xf32>, vector<200x64xf32>, vector<200x64xf32>, vector<200x64xf32> -> vector<3200x64xf32>
    %mul3A_171 = arith.mulf %concatenate3A, %add3A : vector<3200x192xf32>
    %get3A_172 = arith.constant 0 : index
    %get3A_173 = arith.constant 0 : index
    %get3A_174 = vector.load %arg13[%get3A_172, %get3A_173] : memref<192x12xf32, #tpu.memory_space<vmem>>, vector<192x12xf32>
    %dot_general3A_175 = arith.constant dense<0.000000e+00> : vector<3200x12xf32>
    %dot_general3A_176 = tpu.matmul %mul3A_171, %get3A_174, %dot_general3A_175 {dimension_numbers = #tpu.dot_dimension_numbers<[1], [0], [0], [1], [0, 0, 1, 1], [], []>, transpose_lhs_hint = false} : vector<3200x192xf32>, vector<192x12xf32>, vector<3200x12xf32> -> vector<3200x12xf32>
    %get3A_177 = arith.constant 0 : index
    %get3A_178 = arith.constant 0 : index
    %get3A_179 = vector.load %arg14[%get3A_177, %get3A_178] : memref<48x12xf32, #tpu.memory_space<vmem>>, vector<48x12xf32>
    %slice3A_180 = vector.extract_strided_slice %concatenate3A_150 {offsets = [0, 0], sizes = [3200, 1], strides = [1, 1]} : vector<3200x6xf32> to vector<3200x1xf32>
    %mul3A_181 = arith.mulf %sub3A, %sub3A : vector<3200x48xf32>
    %dot_general3A_182 = arith.constant dense<0.000000e+00> : vector<3200x12xf32>
    %dot_general3A_183 = tpu.matmul %mul3A_181, %get3A_179, %dot_general3A_182 {dimension_numbers = #tpu.dot_dimension_numbers<[1], [0], [0], [1], [0, 0, 1, 1], [], []>, transpose_lhs_hint = false} : vector<3200x48xf32>, vector<48x12xf32>, vector<3200x12xf32> -> vector<3200x12xf32>
    %mul3A_184 = vector.broadcast %slice3A_180 : vector<3200x1xf32> to vector<3200x12xf32>
    %mul3A_185 = arith.mulf %mul3A_184, %dot_general3A_183 : vector<3200x12xf32>
    %slice3A_186 = vector.extract_strided_slice %concatenate3A_150 {offsets = [0, 1], sizes = [3200, 1], strides = [1, 1]} : vector<3200x6xf32> to vector<3200x1xf32>
    %mul3A_187 = arith.mulf %sub3A_70, %sub3A_70 : vector<3200x48xf32>
    %dot_general3A_188 = arith.constant dense<0.000000e+00> : vector<3200x12xf32>
    %dot_general3A_189 = tpu.matmul %mul3A_187, %get3A_179, %dot_general3A_188 {dimension_numbers = #tpu.dot_dimension_numbers<[1], [0], [0], [1], [0, 0, 1, 1], [], []>, transpose_lhs_hint = false} : vector<3200x48xf32>, vector<48x12xf32>, vector<3200x12xf32> -> vector<3200x12xf32>
    %mul3A_190 = vector.broadcast %slice3A_186 : vector<3200x1xf32> to vector<3200x12xf32>
    %mul3A_191 = arith.mulf %mul3A_190, %dot_general3A_189 : vector<3200x12xf32>
    %add3A_192 = arith.addf %mul3A_185, %mul3A_191 : vector<3200x12xf32>
    %slice3A_193 = vector.extract_strided_slice %concatenate3A_150 {offsets = [0, 2], sizes = [3200, 1], strides = [1, 1]} : vector<3200x6xf32> to vector<3200x1xf32>
    %mul3A_194 = arith.mulf %sub3A_73, %sub3A_73 : vector<3200x48xf32>
    %dot_general3A_195 = arith.constant dense<0.000000e+00> : vector<3200x12xf32>
    %dot_general3A_196 = tpu.matmul %mul3A_194, %get3A_179, %dot_general3A_195 {dimension_numbers = #tpu.dot_dimension_numbers<[1], [0], [0], [1], [0, 0, 1, 1], [], []>, transpose_lhs_hint = false} : vector<3200x48xf32>, vector<48x12xf32>, vector<3200x12xf32> -> vector<3200x12xf32>
    %mul3A_197 = vector.broadcast %slice3A_193 : vector<3200x1xf32> to vector<3200x12xf32>
    %mul3A_198 = arith.mulf %mul3A_197, %dot_general3A_196 : vector<3200x12xf32>
    %add3A_199 = arith.addf %add3A_192, %mul3A_198 : vector<3200x12xf32>
    %slice3A_200 = vector.extract_strided_slice %concatenate3A_150 {offsets = [0, 3], sizes = [3200, 1], strides = [1, 1]} : vector<3200x6xf32> to vector<3200x1xf32>
    %mul3A_201 = arith.mulf %sub3A, %sub3A_70 : vector<3200x48xf32>
    %dot_general3A_202 = arith.constant dense<0.000000e+00> : vector<3200x12xf32>
    %dot_general3A_203 = tpu.matmul %mul3A_201, %get3A_179, %dot_general3A_202 {dimension_numbers = #tpu.dot_dimension_numbers<[1], [0], [0], [1], [0, 0, 1, 1], [], []>, transpose_lhs_hint = false} : vector<3200x48xf32>, vector<48x12xf32>, vector<3200x12xf32> -> vector<3200x12xf32>
    %mul3A_204 = vector.broadcast %slice3A_200 : vector<3200x1xf32> to vector<3200x12xf32>
    %mul3A_205 = arith.mulf %mul3A_204, %dot_general3A_203 : vector<3200x12xf32>
    %add3A_206 = arith.addf %add3A_199, %mul3A_205 : vector<3200x12xf32>
    %slice3A_207 = vector.extract_strided_slice %concatenate3A_150 {offsets = [0, 4], sizes = [3200, 1], strides = [1, 1]} : vector<3200x6xf32> to vector<3200x1xf32>
    %mul3A_208 = arith.mulf %sub3A, %sub3A_73 : vector<3200x48xf32>
    %dot_general3A_209 = arith.constant dense<0.000000e+00> : vector<3200x12xf32>
    %dot_general3A_210 = tpu.matmul %mul3A_208, %get3A_179, %dot_general3A_209 {dimension_numbers = #tpu.dot_dimension_numbers<[1], [0], [0], [1], [0, 0, 1, 1], [], []>, transpose_lhs_hint = false} : vector<3200x48xf32>, vector<48x12xf32>, vector<3200x12xf32> -> vector<3200x12xf32>
    %mul3A_211 = vector.broadcast %slice3A_207 : vector<3200x1xf32> to vector<3200x12xf32>
    %mul3A_212 = arith.mulf %mul3A_211, %dot_general3A_210 : vector<3200x12xf32>
    %add3A_213 = arith.addf %add3A_206, %mul3A_212 : vector<3200x12xf32>
    %slice3A_214 = vector.extract_strided_slice %concatenate3A_150 {offsets = [0, 5], sizes = [3200, 1], strides = [1, 1]} : vector<3200x6xf32> to vector<3200x1xf32>
    %mul3A_215 = arith.mulf %sub3A_70, %sub3A_73 : vector<3200x48xf32>
    %dot_general3A_216 = arith.constant dense<0.000000e+00> : vector<3200x12xf32>
    %dot_general3A_217 = tpu.matmul %mul3A_215, %get3A_179, %dot_general3A_216 {dimension_numbers = #tpu.dot_dimension_numbers<[1], [0], [0], [1], [0, 0, 1, 1], [], []>, transpose_lhs_hint = false} : vector<3200x48xf32>, vector<48x12xf32>, vector<3200x12xf32> -> vector<3200x12xf32>
    %mul3A_218 = vector.broadcast %slice3A_214 : vector<3200x1xf32> to vector<3200x12xf32>
    %mul3A_219 = arith.mulf %mul3A_218, %dot_general3A_217 : vector<3200x12xf32>
    %add3A_220 = arith.addf %add3A_213, %mul3A_219 : vector<3200x12xf32>
    %get3A_221 = arith.constant 0 : index
    %get3A_222 = arith.constant 0 : index
    %get3A_223 = vector.load %arg8[%get3A_221, %get3A_222] : memref<64x12xf32, #tpu.memory_space<vmem>>, vector<64x12xf32>
    %dot_general3A_224 = arith.constant dense<0.000000e+00> : vector<3200x12xf32>
    %dot_general3A_225 = tpu.matmul %concatenate3A_170, %get3A_223, %dot_general3A_224 {dimension_numbers = #tpu.dot_dimension_numbers<[1], [0], [0], [1], [0, 0, 1, 1], [], []>, transpose_lhs_hint = false} : vector<3200x64xf32>, vector<64x12xf32>, vector<3200x12xf32> -> vector<3200x12xf32>
    %add3A_226 = arith.addf %dot_general3A_176, %add3A_220 : vector<3200x12xf32>
    %add3A_227 = arith.addf %add3A_226, %dot_general3A_225 : vector<3200x12xf32>
    %exp3A = math.exp %add3A_227 : vector<3200x12xf32>
    %get3A_228 = arith.constant 0 : index
    %get3A_229 = arith.constant 0 : index
    %get3A_230 = vector.load %arg18[%get3A_228, %get3A_229] : memref<12x1120xf32, #tpu.memory_space<vmem>>, vector<12x1120xf32>
    %dot_general3A_231 = arith.constant dense<0.000000e+00> : vector<3200x1120xf32>
    %dot_general3A_232 = tpu.matmul %exp3A, %get3A_230, %dot_general3A_231 {dimension_numbers = #tpu.dot_dimension_numbers<[1], [0], [0], [1], [0, 0, 1, 1], [], []>, transpose_lhs_hint = false} : vector<3200x12xf32>, vector<12x1120xf32>, vector<3200x1120xf32> -> vector<3200x1120xf32>
    %slice3A_233 = vector.extract_strided_slice %dot_general3A_232 {offsets = [0, 0], sizes = [3200, 192], strides = [1, 1]} : vector<3200x1120xf32> to vector<3200x192xf32>
    %slice3A_234 = vector.extract_strided_slice %dot_general3A_18 {offsets = [0, 192], sizes = [3200, 192], strides = [1, 1]} : vector<3200x1008xf32> to vector<3200x192xf32>
    %mul3A_235 = arith.mulf %slice3A_233, %slice3A_234 : vector<3200x192xf32>
    %slice3A_236 = vector.extract_strided_slice %dot_general3A_65 {offsets = [0, 0], sizes = [3200, 96], strides = [1, 1]} : vector<3200x1536xf32> to vector<3200x96xf32>
    %slice3A_237 = vector.extract_strided_slice %dot_general3A_18 {offsets = [0, 528], sizes = [3200, 96], strides = [1, 1]} : vector<3200x1008xf32> to vector<3200x96xf32>
    %mul3A_238 = arith.mulf %slice3A_236, %slice3A_237 : vector<3200x96xf32>
    %slice3A_239 = vector.extract_strided_slice %dot_general3A_65 {offsets = [0, 128], sizes = [3200, 96], strides = [1, 1]} : vector<3200x1536xf32> to vector<3200x96xf32>
    %slice3A_240 = vector.extract_strided_slice %dot_general3A_18 {offsets = [0, 624], sizes = [3200, 96], strides = [1, 1]} : vector<3200x1008xf32> to vector<3200x96xf32>
    %mul3A_241 = arith.mulf %slice3A_239, %slice3A_240 : vector<3200x96xf32>
    %add3A_242 = arith.addf %mul3A_238, %mul3A_241 : vector<3200x96xf32>
    %slice3A_243 = vector.extract_strided_slice %dot_general3A_65 {offsets = [0, 256], sizes = [3200, 96], strides = [1, 1]} : vector<3200x1536xf32> to vector<3200x96xf32>
    %slice3A_244 = vector.extract_strided_slice %dot_general3A_18 {offsets = [0, 720], sizes = [3200, 96], strides = [1, 1]} : vector<3200x1008xf32> to vector<3200x96xf32>
    %mul3A_245 = arith.mulf %slice3A_243, %slice3A_244 : vector<3200x96xf32>
    %add3A_246 = arith.addf %add3A_242, %mul3A_245 : vector<3200x96xf32>
    %slice3A_247 = vector.extract_strided_slice %dot_general3A_65 {offsets = [0, 1152], sizes = [3200, 96], strides = [1, 1]} : vector<3200x1536xf32> to vector<3200x96xf32>
    %add3A_248 = arith.addf %add3A_246, %slice3A_247 : vector<3200x96xf32>
    %slice3A_249 = vector.extract_strided_slice %dot_general3A_65 {offsets = [0, 384], sizes = [3200, 96], strides = [1, 1]} : vector<3200x1536xf32> to vector<3200x96xf32>
    %slice3A_250 = vector.extract_strided_slice %dot_general3A_18 {offsets = [0, 528], sizes = [3200, 96], strides = [1, 1]} : vector<3200x1008xf32> to vector<3200x96xf32>
    %mul3A_251 = arith.mulf %slice3A_249, %slice3A_250 : vector<3200x96xf32>
    %slice3A_252 = vector.extract_strided_slice %dot_general3A_65 {offsets = [0, 512], sizes = [3200, 96], strides = [1, 1]} : vector<3200x1536xf32> to vector<3200x96xf32>
    %slice3A_253 = vector.extract_strided_slice %dot_general3A_18 {offsets = [0, 624], sizes = [3200, 96], strides = [1, 1]} : vector<3200x1008xf32> to vector<3200x96xf32>
    %mul3A_254 = arith.mulf %slice3A_252, %slice3A_253 : vector<3200x96xf32>
    %add3A_255 = arith.addf %mul3A_251, %mul3A_254 : vector<3200x96xf32>
    %slice3A_256 = vector.extract_strided_slice %dot_general3A_65 {offsets = [0, 640], sizes = [3200, 96], strides = [1, 1]} : vector<3200x1536xf32> to vector<3200x96xf32>
    %slice3A_257 = vector.extract_strided_slice %dot_general3A_18 {offsets = [0, 720], sizes = [3200, 96], strides = [1, 1]} : vector<3200x1008xf32> to vector<3200x96xf32>
    %mul3A_258 = arith.mulf %slice3A_256, %slice3A_257 : vector<3200x96xf32>
    %add3A_259 = arith.addf %add3A_255, %mul3A_258 : vector<3200x96xf32>
    %slice3A_260 = vector.extract_strided_slice %dot_general3A_65 {offsets = [0, 1280], sizes = [3200, 96], strides = [1, 1]} : vector<3200x1536xf32> to vector<3200x96xf32>
    %add3A_261 = arith.addf %add3A_259, %slice3A_260 : vector<3200x96xf32>
    %slice3A_262 = vector.extract_strided_slice %dot_general3A_65 {offsets = [0, 768], sizes = [3200, 96], strides = [1, 1]} : vector<3200x1536xf32> to vector<3200x96xf32>
    %slice3A_263 = vector.extract_strided_slice %dot_general3A_18 {offsets = [0, 528], sizes = [3200, 96], strides = [1, 1]} : vector<3200x1008xf32> to vector<3200x96xf32>
    %mul3A_264 = arith.mulf %slice3A_262, %slice3A_263 : vector<3200x96xf32>
    %slice3A_265 = vector.extract_strided_slice %dot_general3A_65 {offsets = [0, 896], sizes = [3200, 96], strides = [1, 1]} : vector<3200x1536xf32> to vector<3200x96xf32>
    %slice3A_266 = vector.extract_strided_slice %dot_general3A_18 {offsets = [0, 624], sizes = [3200, 96], strides = [1, 1]} : vector<3200x1008xf32> to vector<3200x96xf32>
    %mul3A_267 = arith.mulf %slice3A_265, %slice3A_266 : vector<3200x96xf32>
    %add3A_268 = arith.addf %mul3A_264, %mul3A_267 : vector<3200x96xf32>
    %slice3A_269 = vector.extract_strided_slice %dot_general3A_65 {offsets = [0, 1024], sizes = [3200, 96], strides = [1, 1]} : vector<3200x1536xf32> to vector<3200x96xf32>
    %slice3A_270 = vector.extract_strided_slice %dot_general3A_18 {offsets = [0, 720], sizes = [3200, 96], strides = [1, 1]} : vector<3200x1008xf32> to vector<3200x96xf32>
    %mul3A_271 = arith.mulf %slice3A_269, %slice3A_270 : vector<3200x96xf32>
    %add3A_272 = arith.addf %add3A_268, %mul3A_271 : vector<3200x96xf32>
    %slice3A_273 = vector.extract_strided_slice %dot_general3A_65 {offsets = [0, 1408], sizes = [3200, 96], strides = [1, 1]} : vector<3200x1536xf32> to vector<3200x96xf32>
    %add3A_274 = arith.addf %add3A_272, %slice3A_273 : vector<3200x96xf32>
    %slice3A_275 = vector.extract_strided_slice %dot_general3A_232 {offsets = [0, 1024], sizes = [3200, 96], strides = [1, 1]} : vector<3200x1120xf32> to vector<3200x96xf32>
    %mul3A_276 = arith.mulf %slice3A_275, %add3A_248 : vector<3200x96xf32>
    %slice3A_277 = vector.extract_strided_slice %dot_general3A_232 {offsets = [0, 1024], sizes = [3200, 96], strides = [1, 1]} : vector<3200x1120xf32> to vector<3200x96xf32>
    %mul3A_278 = arith.mulf %slice3A_277, %add3A_261 : vector<3200x96xf32>
    %slice3A_279 = vector.extract_strided_slice %dot_general3A_232 {offsets = [0, 1024], sizes = [3200, 96], strides = [1, 1]} : vector<3200x1120xf32> to vector<3200x96xf32>
    %mul3A_280 = arith.mulf %slice3A_279, %add3A_274 : vector<3200x96xf32>
    %slice3A_281 = vector.extract_strided_slice %dot_general3A_232 {offsets = [0, 256], sizes = [3200, 768], strides = [1, 1]} : vector<3200x1120xf32> to vector<3200x768xf32>
    %get3A_282 = arith.constant 0 : index
    %get3A_283 = arith.constant 0 : index
    %get3A_284 = vector.load %arg16[%get3A_282, %get3A_283] : memref<64x768xf32, #tpu.memory_space<vmem>>, vector<64x768xf32>
    %dot_general3A_285 = arith.constant dense<0.000000e+00> : vector<3200x768xf32>
    %dot_general3A_286 = tpu.matmul %concatenate3A_170, %get3A_284, %dot_general3A_285 {dimension_numbers = #tpu.dot_dimension_numbers<[1], [0], [0], [1], [0, 0, 1, 1], [], []>, transpose_lhs_hint = false} : vector<3200x64xf32>, vector<64x768xf32>, vector<3200x768xf32> -> vector<3200x768xf32>
    %mul3A_287 = arith.mulf %slice3A_281, %dot_general3A_286 : vector<3200x768xf32>
    %slice3A_288 = vector.extract_strided_slice %exp3A {offsets = [0, 0], sizes = [200, 12], strides = [1, 1]} : vector<3200x12xf32> to vector<200x12xf32>
    %slice3A_289 = vector.extract_strided_slice %exp3A {offsets = [200, 0], sizes = [200, 12], strides = [1, 1]} : vector<3200x12xf32> to vector<200x12xf32>
    %add3A_290 = arith.addf %slice3A_288, %slice3A_289 : vector<200x12xf32>
    %slice3A_291 = vector.extract_strided_slice %exp3A {offsets = [400, 0], sizes = [200, 12], strides = [1, 1]} : vector<3200x12xf32> to vector<200x12xf32>
    %add3A_292 = arith.addf %add3A_290, %slice3A_291 : vector<200x12xf32>
    %slice3A_293 = vector.extract_strided_slice %exp3A {offsets = [600, 0], sizes = [200, 12], strides = [1, 1]} : vector<3200x12xf32> to vector<200x12xf32>
    %add3A_294 = arith.addf %add3A_292, %slice3A_293 : vector<200x12xf32>
    %slice3A_295 = vector.extract_strided_slice %exp3A {offsets = [800, 0], sizes = [200, 12], strides = [1, 1]} : vector<3200x12xf32> to vector<200x12xf32>
    %add3A_296 = arith.addf %add3A_294, %slice3A_295 : vector<200x12xf32>
    %slice3A_297 = vector.extract_strided_slice %exp3A {offsets = [1000, 0], sizes = [200, 12], strides = [1, 1]} : vector<3200x12xf32> to vector<200x12xf32>
    %add3A_298 = arith.addf %add3A_296, %slice3A_297 : vector<200x12xf32>
    %slice3A_299 = vector.extract_strided_slice %exp3A {offsets = [1200, 0], sizes = [200, 12], strides = [1, 1]} : vector<3200x12xf32> to vector<200x12xf32>
    %add3A_300 = arith.addf %add3A_298, %slice3A_299 : vector<200x12xf32>
    %slice3A_301 = vector.extract_strided_slice %exp3A {offsets = [1400, 0], sizes = [200, 12], strides = [1, 1]} : vector<3200x12xf32> to vector<200x12xf32>
    %add3A_302 = arith.addf %add3A_300, %slice3A_301 : vector<200x12xf32>
    %slice3A_303 = vector.extract_strided_slice %exp3A {offsets = [1600, 0], sizes = [200, 12], strides = [1, 1]} : vector<3200x12xf32> to vector<200x12xf32>
    %add3A_304 = arith.addf %add3A_302, %slice3A_303 : vector<200x12xf32>
    %slice3A_305 = vector.extract_strided_slice %exp3A {offsets = [1800, 0], sizes = [200, 12], strides = [1, 1]} : vector<3200x12xf32> to vector<200x12xf32>
    %add3A_306 = arith.addf %add3A_304, %slice3A_305 : vector<200x12xf32>
    %slice3A_307 = vector.extract_strided_slice %exp3A {offsets = [2000, 0], sizes = [200, 12], strides = [1, 1]} : vector<3200x12xf32> to vector<200x12xf32>
    %add3A_308 = arith.addf %add3A_306, %slice3A_307 : vector<200x12xf32>
    %slice3A_309 = vector.extract_strided_slice %exp3A {offsets = [2200, 0], sizes = [200, 12], strides = [1, 1]} : vector<3200x12xf32> to vector<200x12xf32>
    %add3A_310 = arith.addf %add3A_308, %slice3A_309 : vector<200x12xf32>
    %slice3A_311 = vector.extract_strided_slice %exp3A {offsets = [2400, 0], sizes = [200, 12], strides = [1, 1]} : vector<3200x12xf32> to vector<200x12xf32>
    %add3A_312 = arith.addf %add3A_310, %slice3A_311 : vector<200x12xf32>
    %slice3A_313 = vector.extract_strided_slice %exp3A {offsets = [2600, 0], sizes = [200, 12], strides = [1, 1]} : vector<3200x12xf32> to vector<200x12xf32>
    %add3A_314 = arith.addf %add3A_312, %slice3A_313 : vector<200x12xf32>
    %slice3A_315 = vector.extract_strided_slice %exp3A {offsets = [2800, 0], sizes = [200, 12], strides = [1, 1]} : vector<3200x12xf32> to vector<200x12xf32>
    %add3A_316 = arith.addf %add3A_314, %slice3A_315 : vector<200x12xf32>
    %slice3A_317 = vector.extract_strided_slice %exp3A {offsets = [3000, 0], sizes = [200, 12], strides = [1, 1]} : vector<3200x12xf32> to vector<200x12xf32>
    %add3A_318 = arith.addf %add3A_316, %slice3A_317 : vector<200x12xf32>
    %slice3A_319 = vector.extract_strided_slice %mul3A_235 {offsets = [0, 0], sizes = [200, 192], strides = [1, 1]} : vector<3200x192xf32> to vector<200x192xf32>
    %slice3A_320 = vector.extract_strided_slice %mul3A_235 {offsets = [200, 0], sizes = [200, 192], strides = [1, 1]} : vector<3200x192xf32> to vector<200x192xf32>
    %add3A_321 = arith.addf %slice3A_319, %slice3A_320 : vector<200x192xf32>
    %slice3A_322 = vector.extract_strided_slice %mul3A_235 {offsets = [400, 0], sizes = [200, 192], strides = [1, 1]} : vector<3200x192xf32> to vector<200x192xf32>
    %add3A_323 = arith.addf %add3A_321, %slice3A_322 : vector<200x192xf32>
    %slice3A_324 = vector.extract_strided_slice %mul3A_235 {offsets = [600, 0], sizes = [200, 192], strides = [1, 1]} : vector<3200x192xf32> to vector<200x192xf32>
    %add3A_325 = arith.addf %add3A_323, %slice3A_324 : vector<200x192xf32>
    %slice3A_326 = vector.extract_strided_slice %mul3A_235 {offsets = [800, 0], sizes = [200, 192], strides = [1, 1]} : vector<3200x192xf32> to vector<200x192xf32>
    %add3A_327 = arith.addf %add3A_325, %slice3A_326 : vector<200x192xf32>
    %slice3A_328 = vector.extract_strided_slice %mul3A_235 {offsets = [1000, 0], sizes = [200, 192], strides = [1, 1]} : vector<3200x192xf32> to vector<200x192xf32>
    %add3A_329 = arith.addf %add3A_327, %slice3A_328 : vector<200x192xf32>
    %slice3A_330 = vector.extract_strided_slice %mul3A_235 {offsets = [1200, 0], sizes = [200, 192], strides = [1, 1]} : vector<3200x192xf32> to vector<200x192xf32>
    %add3A_331 = arith.addf %add3A_329, %slice3A_330 : vector<200x192xf32>
    %slice3A_332 = vector.extract_strided_slice %mul3A_235 {offsets = [1400, 0], sizes = [200, 192], strides = [1, 1]} : vector<3200x192xf32> to vector<200x192xf32>
    %add3A_333 = arith.addf %add3A_331, %slice3A_332 : vector<200x192xf32>
    %slice3A_334 = vector.extract_strided_slice %mul3A_235 {offsets = [1600, 0], sizes = [200, 192], strides = [1, 1]} : vector<3200x192xf32> to vector<200x192xf32>
    %add3A_335 = arith.addf %add3A_333, %slice3A_334 : vector<200x192xf32>
    %slice3A_336 = vector.extract_strided_slice %mul3A_235 {offsets = [1800, 0], sizes = [200, 192], strides = [1, 1]} : vector<3200x192xf32> to vector<200x192xf32>
    %add3A_337 = arith.addf %add3A_335, %slice3A_336 : vector<200x192xf32>
    %slice3A_338 = vector.extract_strided_slice %mul3A_235 {offsets = [2000, 0], sizes = [200, 192], strides = [1, 1]} : vector<3200x192xf32> to vector<200x192xf32>
    %add3A_339 = arith.addf %add3A_337, %slice3A_338 : vector<200x192xf32>
    %slice3A_340 = vector.extract_strided_slice %mul3A_235 {offsets = [2200, 0], sizes = [200, 192], strides = [1, 1]} : vector<3200x192xf32> to vector<200x192xf32>
    %add3A_341 = arith.addf %add3A_339, %slice3A_340 : vector<200x192xf32>
    %slice3A_342 = vector.extract_strided_slice %mul3A_235 {offsets = [2400, 0], sizes = [200, 192], strides = [1, 1]} : vector<3200x192xf32> to vector<200x192xf32>
    %add3A_343 = arith.addf %add3A_341, %slice3A_342 : vector<200x192xf32>
    %slice3A_344 = vector.extract_strided_slice %mul3A_235 {offsets = [2600, 0], sizes = [200, 192], strides = [1, 1]} : vector<3200x192xf32> to vector<200x192xf32>
    %add3A_345 = arith.addf %add3A_343, %slice3A_344 : vector<200x192xf32>
    %slice3A_346 = vector.extract_strided_slice %mul3A_235 {offsets = [2800, 0], sizes = [200, 192], strides = [1, 1]} : vector<3200x192xf32> to vector<200x192xf32>
    %add3A_347 = arith.addf %add3A_345, %slice3A_346 : vector<200x192xf32>
    %slice3A_348 = vector.extract_strided_slice %mul3A_235 {offsets = [3000, 0], sizes = [200, 192], strides = [1, 1]} : vector<3200x192xf32> to vector<200x192xf32>
    %add3A_349 = arith.addf %add3A_347, %slice3A_348 : vector<200x192xf32>
    %slice3A_350 = vector.extract_strided_slice %mul3A_276 {offsets = [0, 0], sizes = [200, 96], strides = [1, 1]} : vector<3200x96xf32> to vector<200x96xf32>
    %slice3A_351 = vector.extract_strided_slice %mul3A_276 {offsets = [200, 0], sizes = [200, 96], strides = [1, 1]} : vector<3200x96xf32> to vector<200x96xf32>
    %add3A_352 = arith.addf %slice3A_350, %slice3A_351 : vector<200x96xf32>
    %slice3A_353 = vector.extract_strided_slice %mul3A_276 {offsets = [400, 0], sizes = [200, 96], strides = [1, 1]} : vector<3200x96xf32> to vector<200x96xf32>
    %add3A_354 = arith.addf %add3A_352, %slice3A_353 : vector<200x96xf32>
    %slice3A_355 = vector.extract_strided_slice %mul3A_276 {offsets = [600, 0], sizes = [200, 96], strides = [1, 1]} : vector<3200x96xf32> to vector<200x96xf32>
    %add3A_356 = arith.addf %add3A_354, %slice3A_355 : vector<200x96xf32>
    %slice3A_357 = vector.extract_strided_slice %mul3A_276 {offsets = [800, 0], sizes = [200, 96], strides = [1, 1]} : vector<3200x96xf32> to vector<200x96xf32>
    %add3A_358 = arith.addf %add3A_356, %slice3A_357 : vector<200x96xf32>
    %slice3A_359 = vector.extract_strided_slice %mul3A_276 {offsets = [1000, 0], sizes = [200, 96], strides = [1, 1]} : vector<3200x96xf32> to vector<200x96xf32>
    %add3A_360 = arith.addf %add3A_358, %slice3A_359 : vector<200x96xf32>
    %slice3A_361 = vector.extract_strided_slice %mul3A_276 {offsets = [1200, 0], sizes = [200, 96], strides = [1, 1]} : vector<3200x96xf32> to vector<200x96xf32>
    %add3A_362 = arith.addf %add3A_360, %slice3A_361 : vector<200x96xf32>
    %slice3A_363 = vector.extract_strided_slice %mul3A_276 {offsets = [1400, 0], sizes = [200, 96], strides = [1, 1]} : vector<3200x96xf32> to vector<200x96xf32>
    %add3A_364 = arith.addf %add3A_362, %slice3A_363 : vector<200x96xf32>
    %slice3A_365 = vector.extract_strided_slice %mul3A_276 {offsets = [1600, 0], sizes = [200, 96], strides = [1, 1]} : vector<3200x96xf32> to vector<200x96xf32>
    %add3A_366 = arith.addf %add3A_364, %slice3A_365 : vector<200x96xf32>
    %slice3A_367 = vector.extract_strided_slice %mul3A_276 {offsets = [1800, 0], sizes = [200, 96], strides = [1, 1]} : vector<3200x96xf32> to vector<200x96xf32>
    %add3A_368 = arith.addf %add3A_366, %slice3A_367 : vector<200x96xf32>
    %slice3A_369 = vector.extract_strided_slice %mul3A_276 {offsets = [2000, 0], sizes = [200, 96], strides = [1, 1]} : vector<3200x96xf32> to vector<200x96xf32>
    %add3A_370 = arith.addf %add3A_368, %slice3A_369 : vector<200x96xf32>
    %slice3A_371 = vector.extract_strided_slice %mul3A_276 {offsets = [2200, 0], sizes = [200, 96], strides = [1, 1]} : vector<3200x96xf32> to vector<200x96xf32>
    %add3A_372 = arith.addf %add3A_370, %slice3A_371 : vector<200x96xf32>
    %slice3A_373 = vector.extract_strided_slice %mul3A_276 {offsets = [2400, 0], sizes = [200, 96], strides = [1, 1]} : vector<3200x96xf32> to vector<200x96xf32>
    %add3A_374 = arith.addf %add3A_372, %slice3A_373 : vector<200x96xf32>
    %slice3A_375 = vector.extract_strided_slice %mul3A_276 {offsets = [2600, 0], sizes = [200, 96], strides = [1, 1]} : vector<3200x96xf32> to vector<200x96xf32>
    %add3A_376 = arith.addf %add3A_374, %slice3A_375 : vector<200x96xf32>
    %slice3A_377 = vector.extract_strided_slice %mul3A_276 {offsets = [2800, 0], sizes = [200, 96], strides = [1, 1]} : vector<3200x96xf32> to vector<200x96xf32>
    %add3A_378 = arith.addf %add3A_376, %slice3A_377 : vector<200x96xf32>
    %slice3A_379 = vector.extract_strided_slice %mul3A_276 {offsets = [3000, 0], sizes = [200, 96], strides = [1, 1]} : vector<3200x96xf32> to vector<200x96xf32>
    %add3A_380 = arith.addf %add3A_378, %slice3A_379 : vector<200x96xf32>
    %slice3A_381 = vector.extract_strided_slice %mul3A_278 {offsets = [0, 0], sizes = [200, 96], strides = [1, 1]} : vector<3200x96xf32> to vector<200x96xf32>
    %slice3A_382 = vector.extract_strided_slice %mul3A_278 {offsets = [200, 0], sizes = [200, 96], strides = [1, 1]} : vector<3200x96xf32> to vector<200x96xf32>
    %add3A_383 = arith.addf %slice3A_381, %slice3A_382 : vector<200x96xf32>
    %slice3A_384 = vector.extract_strided_slice %mul3A_278 {offsets = [400, 0], sizes = [200, 96], strides = [1, 1]} : vector<3200x96xf32> to vector<200x96xf32>
    %add3A_385 = arith.addf %add3A_383, %slice3A_384 : vector<200x96xf32>
    %slice3A_386 = vector.extract_strided_slice %mul3A_278 {offsets = [600, 0], sizes = [200, 96], strides = [1, 1]} : vector<3200x96xf32> to vector<200x96xf32>
    %add3A_387 = arith.addf %add3A_385, %slice3A_386 : vector<200x96xf32>
    %slice3A_388 = vector.extract_strided_slice %mul3A_278 {offsets = [800, 0], sizes = [200, 96], strides = [1, 1]} : vector<3200x96xf32> to vector<200x96xf32>
    %add3A_389 = arith.addf %add3A_387, %slice3A_388 : vector<200x96xf32>
    %slice3A_390 = vector.extract_strided_slice %mul3A_278 {offsets = [1000, 0], sizes = [200, 96], strides = [1, 1]} : vector<3200x96xf32> to vector<200x96xf32>
    %add3A_391 = arith.addf %add3A_389, %slice3A_390 : vector<200x96xf32>
    %slice3A_392 = vector.extract_strided_slice %mul3A_278 {offsets = [1200, 0], sizes = [200, 96], strides = [1, 1]} : vector<3200x96xf32> to vector<200x96xf32>
    %add3A_393 = arith.addf %add3A_391, %slice3A_392 : vector<200x96xf32>
    %slice3A_394 = vector.extract_strided_slice %mul3A_278 {offsets = [1400, 0], sizes = [200, 96], strides = [1, 1]} : vector<3200x96xf32> to vector<200x96xf32>
    %add3A_395 = arith.addf %add3A_393, %slice3A_394 : vector<200x96xf32>
    %slice3A_396 = vector.extract_strided_slice %mul3A_278 {offsets = [1600, 0], sizes = [200, 96], strides = [1, 1]} : vector<3200x96xf32> to vector<200x96xf32>
    %add3A_397 = arith.addf %add3A_395, %slice3A_396 : vector<200x96xf32>
    %slice3A_398 = vector.extract_strided_slice %mul3A_278 {offsets = [1800, 0], sizes = [200, 96], strides = [1, 1]} : vector<3200x96xf32> to vector<200x96xf32>
    %add3A_399 = arith.addf %add3A_397, %slice3A_398 : vector<200x96xf32>
    %slice3A_400 = vector.extract_strided_slice %mul3A_278 {offsets = [2000, 0], sizes = [200, 96], strides = [1, 1]} : vector<3200x96xf32> to vector<200x96xf32>
    %add3A_401 = arith.addf %add3A_399, %slice3A_400 : vector<200x96xf32>
    %slice3A_402 = vector.extract_strided_slice %mul3A_278 {offsets = [2200, 0], sizes = [200, 96], strides = [1, 1]} : vector<3200x96xf32> to vector<200x96xf32>
    %add3A_403 = arith.addf %add3A_401, %slice3A_402 : vector<200x96xf32>
    %slice3A_404 = vector.extract_strided_slice %mul3A_278 {offsets = [2400, 0], sizes = [200, 96], strides = [1, 1]} : vector<3200x96xf32> to vector<200x96xf32>
    %add3A_405 = arith.addf %add3A_403, %slice3A_404 : vector<200x96xf32>
    %slice3A_406 = vector.extract_strided_slice %mul3A_278 {offsets = [2600, 0], sizes = [200, 96], strides = [1, 1]} : vector<3200x96xf32> to vector<200x96xf32>
    %add3A_407 = arith.addf %add3A_405, %slice3A_406 : vector<200x96xf32>
    %slice3A_408 = vector.extract_strided_slice %mul3A_278 {offsets = [2800, 0], sizes = [200, 96], strides = [1, 1]} : vector<3200x96xf32> to vector<200x96xf32>
    %add3A_409 = arith.addf %add3A_407, %slice3A_408 : vector<200x96xf32>
    %slice3A_410 = vector.extract_strided_slice %mul3A_278 {offsets = [3000, 0], sizes = [200, 96], strides = [1, 1]} : vector<3200x96xf32> to vector<200x96xf32>
    %add3A_411 = arith.addf %add3A_409, %slice3A_410 : vector<200x96xf32>
    %slice3A_412 = vector.extract_strided_slice %mul3A_280 {offsets = [0, 0], sizes = [200, 96], strides = [1, 1]} : vector<3200x96xf32> to vector<200x96xf32>
    %slice3A_413 = vector.extract_strided_slice %mul3A_280 {offsets = [200, 0], sizes = [200, 96], strides = [1, 1]} : vector<3200x96xf32> to vector<200x96xf32>
    %add3A_414 = arith.addf %slice3A_412, %slice3A_413 : vector<200x96xf32>
    %slice3A_415 = vector.extract_strided_slice %mul3A_280 {offsets = [400, 0], sizes = [200, 96], strides = [1, 1]} : vector<3200x96xf32> to vector<200x96xf32>
    %add3A_416 = arith.addf %add3A_414, %slice3A_415 : vector<200x96xf32>
    %slice3A_417 = vector.extract_strided_slice %mul3A_280 {offsets = [600, 0], sizes = [200, 96], strides = [1, 1]} : vector<3200x96xf32> to vector<200x96xf32>
    %add3A_418 = arith.addf %add3A_416, %slice3A_417 : vector<200x96xf32>
    %slice3A_419 = vector.extract_strided_slice %mul3A_280 {offsets = [800, 0], sizes = [200, 96], strides = [1, 1]} : vector<3200x96xf32> to vector<200x96xf32>
    %add3A_420 = arith.addf %add3A_418, %slice3A_419 : vector<200x96xf32>
    %slice3A_421 = vector.extract_strided_slice %mul3A_280 {offsets = [1000, 0], sizes = [200, 96], strides = [1, 1]} : vector<3200x96xf32> to vector<200x96xf32>
    %add3A_422 = arith.addf %add3A_420, %slice3A_421 : vector<200x96xf32>
    %slice3A_423 = vector.extract_strided_slice %mul3A_280 {offsets = [1200, 0], sizes = [200, 96], strides = [1, 1]} : vector<3200x96xf32> to vector<200x96xf32>
    %add3A_424 = arith.addf %add3A_422, %slice3A_423 : vector<200x96xf32>
    %slice3A_425 = vector.extract_strided_slice %mul3A_280 {offsets = [1400, 0], sizes = [200, 96], strides = [1, 1]} : vector<3200x96xf32> to vector<200x96xf32>
    %add3A_426 = arith.addf %add3A_424, %slice3A_425 : vector<200x96xf32>
    %slice3A_427 = vector.extract_strided_slice %mul3A_280 {offsets = [1600, 0], sizes = [200, 96], strides = [1, 1]} : vector<3200x96xf32> to vector<200x96xf32>
    %add3A_428 = arith.addf %add3A_426, %slice3A_427 : vector<200x96xf32>
    %slice3A_429 = vector.extract_strided_slice %mul3A_280 {offsets = [1800, 0], sizes = [200, 96], strides = [1, 1]} : vector<3200x96xf32> to vector<200x96xf32>
    %add3A_430 = arith.addf %add3A_428, %slice3A_429 : vector<200x96xf32>
    %slice3A_431 = vector.extract_strided_slice %mul3A_280 {offsets = [2000, 0], sizes = [200, 96], strides = [1, 1]} : vector<3200x96xf32> to vector<200x96xf32>
    %add3A_432 = arith.addf %add3A_430, %slice3A_431 : vector<200x96xf32>
    %slice3A_433 = vector.extract_strided_slice %mul3A_280 {offsets = [2200, 0], sizes = [200, 96], strides = [1, 1]} : vector<3200x96xf32> to vector<200x96xf32>
    %add3A_434 = arith.addf %add3A_432, %slice3A_433 : vector<200x96xf32>
    %slice3A_435 = vector.extract_strided_slice %mul3A_280 {offsets = [2400, 0], sizes = [200, 96], strides = [1, 1]} : vector<3200x96xf32> to vector<200x96xf32>
    %add3A_436 = arith.addf %add3A_434, %slice3A_435 : vector<200x96xf32>
    %slice3A_437 = vector.extract_strided_slice %mul3A_280 {offsets = [2600, 0], sizes = [200, 96], strides = [1, 1]} : vector<3200x96xf32> to vector<200x96xf32>
    %add3A_438 = arith.addf %add3A_436, %slice3A_437 : vector<200x96xf32>
    %slice3A_439 = vector.extract_strided_slice %mul3A_280 {offsets = [2800, 0], sizes = [200, 96], strides = [1, 1]} : vector<3200x96xf32> to vector<200x96xf32>
    %add3A_440 = arith.addf %add3A_438, %slice3A_439 : vector<200x96xf32>
    %slice3A_441 = vector.extract_strided_slice %mul3A_280 {offsets = [3000, 0], sizes = [200, 96], strides = [1, 1]} : vector<3200x96xf32> to vector<200x96xf32>
    %add3A_442 = arith.addf %add3A_440, %slice3A_441 : vector<200x96xf32>
    %slice3A_443 = vector.extract_strided_slice %mul3A_287 {offsets = [0, 0], sizes = [200, 768], strides = [1, 1]} : vector<3200x768xf32> to vector<200x768xf32>
    %slice3A_444 = vector.extract_strided_slice %mul3A_287 {offsets = [200, 0], sizes = [200, 768], strides = [1, 1]} : vector<3200x768xf32> to vector<200x768xf32>
    %add3A_445 = arith.addf %slice3A_443, %slice3A_444 : vector<200x768xf32>
    %slice3A_446 = vector.extract_strided_slice %mul3A_287 {offsets = [400, 0], sizes = [200, 768], strides = [1, 1]} : vector<3200x768xf32> to vector<200x768xf32>
    %add3A_447 = arith.addf %add3A_445, %slice3A_446 : vector<200x768xf32>
    %slice3A_448 = vector.extract_strided_slice %mul3A_287 {offsets = [600, 0], sizes = [200, 768], strides = [1, 1]} : vector<3200x768xf32> to vector<200x768xf32>
    %add3A_449 = arith.addf %add3A_447, %slice3A_448 : vector<200x768xf32>
    %slice3A_450 = vector.extract_strided_slice %mul3A_287 {offsets = [800, 0], sizes = [200, 768], strides = [1, 1]} : vector<3200x768xf32> to vector<200x768xf32>
    %add3A_451 = arith.addf %add3A_449, %slice3A_450 : vector<200x768xf32>
    %slice3A_452 = vector.extract_strided_slice %mul3A_287 {offsets = [1000, 0], sizes = [200, 768], strides = [1, 1]} : vector<3200x768xf32> to vector<200x768xf32>
    %add3A_453 = arith.addf %add3A_451, %slice3A_452 : vector<200x768xf32>
    %slice3A_454 = vector.extract_strided_slice %mul3A_287 {offsets = [1200, 0], sizes = [200, 768], strides = [1, 1]} : vector<3200x768xf32> to vector<200x768xf32>
    %add3A_455 = arith.addf %add3A_453, %slice3A_454 : vector<200x768xf32>
    %slice3A_456 = vector.extract_strided_slice %mul3A_287 {offsets = [1400, 0], sizes = [200, 768], strides = [1, 1]} : vector<3200x768xf32> to vector<200x768xf32>
    %add3A_457 = arith.addf %add3A_455, %slice3A_456 : vector<200x768xf32>
    %slice3A_458 = vector.extract_strided_slice %mul3A_287 {offsets = [1600, 0], sizes = [200, 768], strides = [1, 1]} : vector<3200x768xf32> to vector<200x768xf32>
    %add3A_459 = arith.addf %add3A_457, %slice3A_458 : vector<200x768xf32>
    %slice3A_460 = vector.extract_strided_slice %mul3A_287 {offsets = [1800, 0], sizes = [200, 768], strides = [1, 1]} : vector<3200x768xf32> to vector<200x768xf32>
    %add3A_461 = arith.addf %add3A_459, %slice3A_460 : vector<200x768xf32>
    %slice3A_462 = vector.extract_strided_slice %mul3A_287 {offsets = [2000, 0], sizes = [200, 768], strides = [1, 1]} : vector<3200x768xf32> to vector<200x768xf32>
    %add3A_463 = arith.addf %add3A_461, %slice3A_462 : vector<200x768xf32>
    %slice3A_464 = vector.extract_strided_slice %mul3A_287 {offsets = [2200, 0], sizes = [200, 768], strides = [1, 1]} : vector<3200x768xf32> to vector<200x768xf32>
    %add3A_465 = arith.addf %add3A_463, %slice3A_464 : vector<200x768xf32>
    %slice3A_466 = vector.extract_strided_slice %mul3A_287 {offsets = [2400, 0], sizes = [200, 768], strides = [1, 1]} : vector<3200x768xf32> to vector<200x768xf32>
    %add3A_467 = arith.addf %add3A_465, %slice3A_466 : vector<200x768xf32>
    %slice3A_468 = vector.extract_strided_slice %mul3A_287 {offsets = [2600, 0], sizes = [200, 768], strides = [1, 1]} : vector<3200x768xf32> to vector<200x768xf32>
    %add3A_469 = arith.addf %add3A_467, %slice3A_468 : vector<200x768xf32>
    %slice3A_470 = vector.extract_strided_slice %mul3A_287 {offsets = [2800, 0], sizes = [200, 768], strides = [1, 1]} : vector<3200x768xf32> to vector<200x768xf32>
    %add3A_471 = arith.addf %add3A_469, %slice3A_470 : vector<200x768xf32>
    %slice3A_472 = vector.extract_strided_slice %mul3A_287 {offsets = [3000, 0], sizes = [200, 768], strides = [1, 1]} : vector<3200x768xf32> to vector<200x768xf32>
    %add3A_473 = arith.addf %add3A_471, %slice3A_472 : vector<200x768xf32>
    %div3A = arith.constant 1.000000e+00 : f32
    %div3A_474 = vector.broadcast %div3A : f32 to vector<200x12xf32>
    %div3A_475 = arith.divf %div3A_474, %add3A_318 : vector<200x12xf32>
    %get3A_476 = arith.constant 0 : index
    %get3A_477 = arith.constant 0 : index
    %get3A_478 = vector.load %arg18[%get3A_476, %get3A_477] : memref<12x1120xf32, #tpu.memory_space<vmem>>, vector<12x1120xf32>
    %dot_general3A_479 = arith.constant dense<0.000000e+00> : vector<200x1120xf32>
    %dot_general3A_480 = tpu.matmul %div3A_475, %get3A_478, %dot_general3A_479 {dimension_numbers = #tpu.dot_dimension_numbers<[1], [0], [0], [1], [0, 0, 1, 1], [], []>, transpose_lhs_hint = false} : vector<200x12xf32>, vector<12x1120xf32>, vector<200x1120xf32> -> vector<200x1120xf32>
    %slice3A_481 = vector.extract_strided_slice %dot_general3A_480 {offsets = [0, 0], sizes = [200, 192], strides = [1, 1]} : vector<200x1120xf32> to vector<200x192xf32>
    %mul3A_482 = arith.mulf %add3A_349, %slice3A_481 : vector<200x192xf32>
    %slice3A_483 = vector.extract_strided_slice %dot_general3A_480 {offsets = [0, 256], sizes = [200, 768], strides = [1, 1]} : vector<200x1120xf32> to vector<200x768xf32>
    %mul3A_484 = arith.mulf %add3A_473, %slice3A_483 : vector<200x768xf32>
    %slice3A_485 = vector.extract_strided_slice %dot_general3A_480 {offsets = [0, 1024], sizes = [200, 96], strides = [1, 1]} : vector<200x1120xf32> to vector<200x96xf32>
    %mul3A_486 = arith.mulf %add3A_380, %slice3A_485 : vector<200x96xf32>
    %slice3A_487 = vector.extract_strided_slice %get3A_4 {offsets = [0, 3], sizes = [200, 1], strides = [1, 1]} : vector<200x16xf32> to vector<200x1xf32>
    %sub3A_488 = vector.broadcast %slice3A_487 : vector<200x1xf32> to vector<200x96xf32>
    %sub3A_489 = arith.subf %mul3A_486, %sub3A_488 : vector<200x96xf32>
    %mul3A_490 = arith.mulf %add3A_411, %slice3A_485 : vector<200x96xf32>
    %slice3A_491 = vector.extract_strided_slice %get3A_4 {offsets = [0, 7], sizes = [200, 1], strides = [1, 1]} : vector<200x16xf32> to vector<200x1xf32>
    %sub3A_492 = vector.broadcast %slice3A_491 : vector<200x1xf32> to vector<200x96xf32>
    %sub3A_493 = arith.subf %mul3A_490, %sub3A_492 : vector<200x96xf32>
    %mul3A_494 = arith.mulf %add3A_442, %slice3A_485 : vector<200x96xf32>
    %slice3A_495 = vector.extract_strided_slice %get3A_4 {offsets = [0, 11], sizes = [200, 1], strides = [1, 1]} : vector<200x16xf32> to vector<200x1xf32>
    %sub3A_496 = vector.broadcast %slice3A_495 : vector<200x1xf32> to vector<200x96xf32>
    %sub3A_497 = arith.subf %mul3A_494, %sub3A_496 : vector<200x96xf32>
    %slice3A_498 = vector.extract_strided_slice %get3A_4 {offsets = [0, 0], sizes = [200, 1], strides = [1, 1]} : vector<200x16xf32> to vector<200x1xf32>
    %mul3A_499 = vector.broadcast %slice3A_498 : vector<200x1xf32> to vector<200x96xf32>
    %mul3A_500 = arith.mulf %mul3A_499, %sub3A_489 : vector<200x96xf32>
    %slice3A_501 = vector.extract_strided_slice %get3A_4 {offsets = [0, 4], sizes = [200, 1], strides = [1, 1]} : vector<200x16xf32> to vector<200x1xf32>
    %mul3A_502 = vector.broadcast %slice3A_501 : vector<200x1xf32> to vector<200x96xf32>
    %mul3A_503 = arith.mulf %mul3A_502, %sub3A_493 : vector<200x96xf32>
    %add3A_504 = arith.addf %mul3A_500, %mul3A_503 : vector<200x96xf32>
    %slice3A_505 = vector.extract_strided_slice %get3A_4 {offsets = [0, 8], sizes = [200, 1], strides = [1, 1]} : vector<200x16xf32> to vector<200x1xf32>
    %mul3A_506 = vector.broadcast %slice3A_505 : vector<200x1xf32> to vector<200x96xf32>
    %mul3A_507 = arith.mulf %mul3A_506, %sub3A_497 : vector<200x96xf32>
    %add3A_508 = arith.addf %add3A_504, %mul3A_507 : vector<200x96xf32>
    %slice3A_509 = vector.extract_strided_slice %get3A_4 {offsets = [0, 1], sizes = [200, 1], strides = [1, 1]} : vector<200x16xf32> to vector<200x1xf32>
    %mul3A_510 = vector.broadcast %slice3A_509 : vector<200x1xf32> to vector<200x96xf32>
    %mul3A_511 = arith.mulf %mul3A_510, %sub3A_489 : vector<200x96xf32>
    %slice3A_512 = vector.extract_strided_slice %get3A_4 {offsets = [0, 5], sizes = [200, 1], strides = [1, 1]} : vector<200x16xf32> to vector<200x1xf32>
    %mul3A_513 = vector.broadcast %slice3A_512 : vector<200x1xf32> to vector<200x96xf32>
    %mul3A_514 = arith.mulf %mul3A_513, %sub3A_493 : vector<200x96xf32>
    %add3A_515 = arith.addf %mul3A_511, %mul3A_514 : vector<200x96xf32>
    %slice3A_516 = vector.extract_strided_slice %get3A_4 {offsets = [0, 9], sizes = [200, 1], strides = [1, 1]} : vector<200x16xf32> to vector<200x1xf32>
    %mul3A_517 = vector.broadcast %slice3A_516 : vector<200x1xf32> to vector<200x96xf32>
    %mul3A_518 = arith.mulf %mul3A_517, %sub3A_497 : vector<200x96xf32>
    %add3A_519 = arith.addf %add3A_515, %mul3A_518 : vector<200x96xf32>
    %slice3A_520 = vector.extract_strided_slice %get3A_4 {offsets = [0, 2], sizes = [200, 1], strides = [1, 1]} : vector<200x16xf32> to vector<200x1xf32>
    %mul3A_521 = vector.broadcast %slice3A_520 : vector<200x1xf32> to vector<200x96xf32>
    %mul3A_522 = arith.mulf %mul3A_521, %sub3A_489 : vector<200x96xf32>
    %slice3A_523 = vector.extract_strided_slice %get3A_4 {offsets = [0, 6], sizes = [200, 1], strides = [1, 1]} : vector<200x16xf32> to vector<200x1xf32>
    %mul3A_524 = vector.broadcast %slice3A_523 : vector<200x1xf32> to vector<200x96xf32>
    %mul3A_525 = arith.mulf %mul3A_524, %sub3A_493 : vector<200x96xf32>
    %add3A_526 = arith.addf %mul3A_522, %mul3A_525 : vector<200x96xf32>
    %slice3A_527 = vector.extract_strided_slice %get3A_4 {offsets = [0, 10], sizes = [200, 1], strides = [1, 1]} : vector<200x16xf32> to vector<200x1xf32>
    %mul3A_528 = vector.broadcast %slice3A_527 : vector<200x1xf32> to vector<200x96xf32>
    %mul3A_529 = arith.mulf %mul3A_528, %sub3A_497 : vector<200x96xf32>
    %add3A_530 = arith.addf %add3A_526, %mul3A_529 : vector<200x96xf32>
    %mul3A_531 = arith.mulf %add3A_508, %add3A_508 : vector<200x96xf32>
    %mul3A_532 = arith.mulf %add3A_519, %add3A_519 : vector<200x96xf32>
    %add3A_533 = arith.addf %mul3A_531, %mul3A_532 : vector<200x96xf32>
    %mul3A_534 = arith.mulf %add3A_530, %add3A_530 : vector<200x96xf32>
    %add3A_535 = arith.addf %add3A_533, %mul3A_534 : vector<200x96xf32>
    %add3A_536 = arith.constant 9.99999996E-13 : f32
    %add3A_537 = vector.broadcast %add3A_536 : f32 to vector<200x96xf32>
    %add3A_538 = arith.addf %add3A_535, %add3A_537 : vector<200x96xf32>
    %sqrt3A = math.sqrt %add3A_538 : vector<200x96xf32>
    %concatenate3A_539 = tpu.concatenate %mul3A_482, %mul3A_484, %add3A_508, %add3A_519, %add3A_530, %sqrt3A in 1 : vector<200x192xf32>, vector<200x768xf32>, vector<200x96xf32>, vector<200x96xf32>, vector<200x96xf32>, vector<200x96xf32> -> vector<200x1344xf32>
    %get3A_540 = arith.constant 0 : index
    %get3A_541 = arith.constant 0 : index
    %get3A_542 = vector.load %arg9[%get3A_540, %get3A_541] : memref<1344x128xf32, #tpu.memory_space<vmem>>, vector<1344x128xf32>
    %dot_general3A_543 = arith.constant dense<0.000000e+00> : vector<200x128xf32>
    %dot_general3A_544 = tpu.matmul %concatenate3A_539, %get3A_542, %dot_general3A_543 {dimension_numbers = #tpu.dot_dimension_numbers<[1], [0], [0], [1], [0, 0, 1, 1], [], []>, transpose_lhs_hint = false} : vector<200x1344xf32>, vector<1344x128xf32>, vector<200x128xf32> -> vector<200x128xf32>
    %get3A_545 = arith.constant 0 : index
    %get3A_546 = arith.constant 0 : index
    %get3A_547 = vector.load %arg10[%get3A_545, %get3A_546] : memref<1x128xf32, #tpu.memory_space<vmem>>, vector<1x128xf32>
    %add3A_548 = vector.broadcast %get3A_547 : vector<1x128xf32> to vector<200x128xf32>
    %add3A_549 = arith.addf %dot_general3A_544, %add3A_548 : vector<200x128xf32>
    %mul3A_550 = arith.constant 1.41421354 : f32
    %mul3A_551 = vector.broadcast %mul3A_550 : f32 to vector<200x128xf32>
    %mul3A_552 = arith.mulf %mul3A_551, %get3A_1 : vector<200x128xf32>
    %add3A_553 = arith.addf %mul3A_552, %add3A_549 : vector<200x128xf32>
    %reduce_sum3A = arith.constant dense<0.000000e+00> : vector<200xf32>
    %reduce_sum3A_554 = vector.multi_reduction <add>, %add3A_553, %reduce_sum3A [1] : vector<200x128xf32> to vector<200xf32>
    %broadcast_in_dim3A = vector.shape_cast %reduce_sum3A_554 : vector<200xf32> to vector<200x1xf32>
    %div3A_555 = arith.constant 1.280000e+02 : f32
    %div3A_556 = vector.broadcast %div3A_555 : f32 to vector<200x1xf32>
    %div3A_557 = arith.divf %broadcast_in_dim3A, %div3A_556 : vector<200x1xf32>
    %sub3A_558 = vector.broadcast %div3A_557 : vector<200x1xf32> to vector<200x128xf32>
    %sub3A_559 = arith.subf %add3A_553, %sub3A_558 : vector<200x128xf32>
    %square3A = arith.mulf %sub3A_559, %sub3A_559 : vector<200x128xf32>
    %reduce_sum3A_560 = arith.constant dense<0.000000e+00> : vector<200xf32>
    %reduce_sum3A_561 = vector.multi_reduction <add>, %square3A, %reduce_sum3A_560 [1] : vector<200x128xf32> to vector<200xf32>
    %broadcast_in_dim3A_562 = vector.shape_cast %reduce_sum3A_561 : vector<200xf32> to vector<200x1xf32>
    %div3A_563 = arith.constant 1.280000e+02 : f32
    %div3A_564 = vector.broadcast %div3A_563 : f32 to vector<200x1xf32>
    %div3A_565 = arith.divf %broadcast_in_dim3A_562, %div3A_564 : vector<200x1xf32>
    %get3A_566 = arith.constant 0 : index
    %get3A_567 = arith.constant 0 : index
    %get3A_568 = vector.load %arg11[%get3A_566, %get3A_567] : memref<1x128xf32, #tpu.memory_space<vmem>>, vector<1x128xf32>
    %sub3A_569 = vector.broadcast %div3A_557 : vector<200x1xf32> to vector<200x128xf32>
    %sub3A_570 = arith.subf %add3A_553, %sub3A_569 : vector<200x128xf32>
    %mul3A_571 = vector.broadcast %get3A_568 : vector<1x128xf32> to vector<200x128xf32>
    %mul3A_572 = arith.mulf %mul3A_571, %sub3A_570 : vector<200x128xf32>
    %add3A_573 = arith.constant 9.99999974E-6 : f32
    %add3A_574 = vector.broadcast %add3A_573 : f32 to vector<200x1xf32>
    %add3A_575 = arith.addf %div3A_565, %add3A_574 : vector<200x1xf32>
    %rsqrt3A = math.rsqrt %add3A_575 : vector<200x1xf32>
    %mul3A_576 = vector.broadcast %rsqrt3A : vector<200x1xf32> to vector<200x128xf32>
    %mul3A_577 = arith.mulf %mul3A_572, %mul3A_576 : vector<200x128xf32>
    %get3A_578 = arith.constant 0 : index
    %get3A_579 = arith.constant 0 : index
    %get3A_580 = vector.load %arg12[%get3A_578, %get3A_579] : memref<1x128xf32, #tpu.memory_space<vmem>>, vector<1x128xf32>
    %add3A_581 = vector.broadcast %get3A_580 : vector<1x128xf32> to vector<200x128xf32>
    %add3A_582 = arith.addf %mul3A_577, %add3A_581 : vector<200x128xf32>
    %swap3A = arith.constant 0 : index
    %swap3A_583 = arith.constant 0 : index
    %swap3A_584 = vector.load %arg19[%swap3A, %swap3A_583] : memref<200x128xf32, #tpu.memory_space<vmem>>, vector<200x128xf32>
    tpu.vector_store %arg19[%swap3A, %swap3A_583], %add3A_582 {strides = array<i32>} : memref<200x128xf32, #tpu.memory_space<vmem>>, vector<200x128xf32>,
    return
  }
  func.func @transform_0(%arg0: i32) -> (i32, i32, i32) {
    %c0_i32 = arith.constant 0 : i32
    %c0_i32_0 = arith.constant 0 : i32
    %c0_i32_1 = arith.constant 0 : i32
    return %c0_i32, %arg0, %c0_i32_0 : i32, i32, i32
  }
  func.func @transform_1(%arg0: i32) -> (i32, i32) {
    %c0_i32 = arith.constant 0 : i32
    %c0_i32_0 = arith.constant 0 : i32
    return %arg0, %c0_i32 : i32, i32
  }
  func.func @transform_2(%arg0: i32) -> (i32, i32) {
    %c0_i32 = arith.constant 0 : i32
    %c0_i32_0 = arith.constant 0 : i32
    return %arg0, %c0_i32 : i32, i32
  }
  func.func @transform_3(%arg0: i32) -> (i32, i32) {
    %c0_i32 = arith.constant 0 : i32
    %c0_i32_0 = arith.constant 0 : i32
    return %arg0, %c0_i32 : i32, i32
  }
  func.func @transform_4(%arg0: i32) -> (i32, i32) {
    %c0_i32 = arith.constant 0 : i32
    %c0_i32_0 = arith.constant 0 : i32
    return %arg0, %c0_i32 : i32, i32
  }
  func.func @transform_5(%arg0: i32) -> (i32, i32) {
    %c0_i32 = arith.constant 0 : i32
    %c0_i32_0 = arith.constant 0 : i32
    %c0_i32_1 = arith.constant 0 : i32
    return %c0_i32, %c0_i32_0 : i32, i32
  }
  func.func @transform_6(%arg0: i32) -> (i32, i32) {
    %c0_i32 = arith.constant 0 : i32
    %c0_i32_0 = arith.constant 0 : i32
    %c0_i32_1 = arith.constant 0 : i32
    return %c0_i32, %c0_i32_0 : i32, i32
  }
  func.func @transform_7(%arg0: i32) -> (i32, i32) {
    %c0_i32 = arith.constant 0 : i32
    %c0_i32_0 = arith.constant 0 : i32
    %c0_i32_1 = arith.constant 0 : i32
    return %c0_i32, %c0_i32_0 : i32, i32
  }
  func.func @transform_8(%arg0: i32) -> (i32, i32) {
    %c0_i32 = arith.constant 0 : i32
    %c0_i32_0 = arith.constant 0 : i32
    %c0_i32_1 = arith.constant 0 : i32
    return %c0_i32, %c0_i32_0 : i32, i32
  }
  func.func @transform_9(%arg0: i32) -> (i32, i32) {
    %c0_i32 = arith.constant 0 : i32
    %c0_i32_0 = arith.constant 0 : i32
    %c0_i32_1 = arith.constant 0 : i32
    return %c0_i32, %c0_i32_0 : i32, i32
  }
  func.func @transform_10(%arg0: i32) -> (i32, i32) {
    %c0_i32 = arith.constant 0 : i32
    %c0_i32_0 = arith.constant 0 : i32
    %c0_i32_1 = arith.constant 0 : i32
    return %c0_i32, %c0_i32_0 : i32, i32
  }
  func.func @transform_11(%arg0: i32) -> (i32, i32) {
    %c0_i32 = arith.constant 0 : i32
    %c0_i32_0 = arith.constant 0 : i32
    %c0_i32_1 = arith.constant 0 : i32
    return %c0_i32, %c0_i32_0 : i32, i32
  }
  func.func @transform_12(%arg0: i32) -> (i32, i32) {
    %c0_i32 = arith.constant 0 : i32
    %c0_i32_0 = arith.constant 0 : i32
    %c0_i32_1 = arith.constant 0 : i32
    return %c0_i32, %c0_i32_0 : i32, i32
  }
  func.func @transform_13(%arg0: i32) -> (i32, i32) {
    %c0_i32 = arith.constant 0 : i32
    %c0_i32_0 = arith.constant 0 : i32
    %c0_i32_1 = arith.constant 0 : i32
    return %c0_i32, %c0_i32_0 : i32, i32
  }
  func.func @transform_14(%arg0: i32) -> (i32, i32) {
    %c0_i32 = arith.constant 0 : i32
    %c0_i32_0 = arith.constant 0 : i32
    %c0_i32_1 = arith.constant 0 : i32
    return %c0_i32, %c0_i32_0 : i32, i32
  }
  func.func @transform_15(%arg0: i32) -> (i32, i32) {
    %c0_i32 = arith.constant 0 : i32
    %c0_i32_0 = arith.constant 0 : i32
    %c0_i32_1 = arith.constant 0 : i32
    return %c0_i32, %c0_i32_0 : i32, i32
  }
  func.func @transform_16(%arg0: i32) -> (i32, i32) {
    %c0_i32 = arith.constant 0 : i32
    %c0_i32_0 = arith.constant 0 : i32
    %c0_i32_1 = arith.constant 0 : i32
    return %c0_i32, %c0_i32_0 : i32, i32
  }
  func.func @transform_17(%arg0: i32) -> (i32, i32) {
    %c0_i32 = arith.constant 0 : i32
    %c0_i32_0 = arith.constant 0 : i32
    %c0_i32_1 = arith.constant 0 : i32
    return %c0_i32, %c0_i32_0 : i32, i32
  }
  func.func @transform_18(%arg0: i32) -> (i32, i32) {
    %c0_i32 = arith.constant 0 : i32
    %c0_i32_0 = arith.constant 0 : i32
    return %arg0, %c0_i32 : i32, i32
  }
}

</mosaic_0001>

<sc_bundles>
// kernel: gather_offload_async_start
scs
__scs_entry_jumppad:
0x0: {  	(pc) =	sbr.rel $0x88, $3  }
0x1: {  	(tag) =	ssettag $0x0;
	lr =	simm.s32 $0x1  }
0x2: {  	[smem:$0x3F90] =	sst lr;
	_ =	strace $0xD0000000  }
0x3: {  	_ = 	snop  }
0x4: {  	_ = 	snop  }
0x5: {  	_ = 	snop  }
0x6: {  	_ = 	snop  }
0x7: {  	_ = 	snop  }
__scs_overlays_trampoline_lowered:
0x8: {  	[smem:$0x3F9F] =	sst s0  }
0x9: {  	[smem:$0x3FA0] =	sst s1  }
0xa: {  	[smem:$0x3FA1] =	sst s2  }
0xb: {  	[smem:$0x3FA2] =	sst s3  }
0xc: {  	[smem:$0x3FA3] =	sst s4  }
0xd: {  	[smem:$0x3FA4] =	sst s5  }
0xe: {  	[smem:$0x3FA5] =	sst s6  }
0xf: {  	[smem:$0x3FA6] =	sst s7  }
0x10: {  	[smem:$0x3FA7] =	sst s8  }
0x11: {  	[smem:$0x3FA8] =	sst s9;
	s0 =	simm.s32 @!p0 $0x0  }
0x12: {  	s1 =	sld [smem:$0x3F8E];
	s0 =	simm.s32 @p0 $0x1  }
0x13: {  	[smem:$0x3FA9] =	sst s0;
	s0 =	simm.s32 @!p1 $0x0  }
0x14: {  	s2 =	sld [smem:$0x3F8D];
	s0 =	simm.s32 @p1 $0x1  }
0x15: {  	[smem:$0x3FAA] =	sst s0;
	s0 =	simm.s32 @!p2 $0x0  }
0x16: {  	s3 =	sld [smem:$0x3FDB];
	s0 =	simm.s32 @p2 $0x1  }
0x17: {  	s4 =	simm.s32 $0x1BF5;
	[smem:$0x3FAC] =	sst s0  }
0x18: {  	s0 =	sld [smem:$0x3F8F];
	_ =	swait.ge [sflag:s4], $0x0  }
0x19: {  	s7 =	sld [smem:$0x3F90]  }
0x1a: {  	s8 =	sadd.s32 $0xFFFFE003, lr  }
0x1b: {  	s9 =	sadd.s32 $0xFFFFFEF7, lr;
	s5 =	simm.s32 $0xFFFFFFFF;
	p2 =	slt.u32 s8, $0xFFFFF086  }
0x1c: {  	p1 =	slt.u32 s9, $0xF7A;
	s5 =	simm.s32 @!p2 $0x0  }
0x1d: {  	s5 =	simm.s32 @p1 $0x1;
	p0 =	seq.s32 s7, s2  }
0x1e: {  	s7 =	smul.u32 @!p0 $0xF7A, s2;
	p2 =	seq.s32 @!p0 s5, $0x0  }
0x1f: {  	s9 =	smul.u32 $0xF7A, s1;
	s8 =	simm.s32 @!p0 $0x1BF5;
	p2 =	por !p2, p0  }
0x20: {  	[sflag:s8] =	ssyncset.s32 @!p0 $0xFFFFF086;
	s6 =	sadd.s32 @!p0 s3, s7;
	s7 =	simm.s32 @!p0 $0x108  }
0x21: {  	s3 =	sadd.s32 s3, s9;
	s6 =	sadd.s32 @!p0 $0x88, s6;
	s7 =	simm.s32 @p2 $0x1082  }
0x22: {  	[simem:s7], [sflag:s8] =	dma.local @!p0 [hbm:s6], $0xF7A  }
0x23: {  	s9 =	sor.u32 $0xD0000000, s2;
	s6 =	simm.s32 $0x108;
	_ =	swait.ge @!p0 [sflag:s8], $0x0  }
0x24: {  	s3 =	sadd.s32 $0x88, s3;
	s6 =	simm.s32 @!p1 $0x1082;
	[sflag:s4] =	ssyncset.s32 $0xFFFFF086  }
0x25: {  	[simem:s6], [sflag:s4] =	dma.local [hbm:s3], $0xF7A  }
0x26: {  	[smem:$0x3F90] =	sst s1;
	(tag) =	ssettag s2;
	_ =	strace s9  }
0x27: {  	s1 =	sld [smem:$0x3FA0]  }
0x28: {  	s2 =	sld [smem:$0x3FA1]  }
0x29: {  	s4 =	sld [smem:$0x3FA3]  }
0x2a: {  	p0 =	seq.s32 s5, $0x0;
	s5 =	sld [smem:$0x3FA4]  }
0x2b: {  	s6 =	sld [smem:$0x3FA5]  }
0x2c: {  	s7 =	sld [smem:$0x3FA6]  }
0x2d: {  	s3 =	simm.s32 $0x108;
	s8 =	sld [smem:$0x3FA7]  }
0x2e: {  	s3 =	simm.s32 @!p0 $0x1082;
	s9 =	sld [smem:$0x3FA8]  }
0x2f: {  	lr =	sadd.s32 s0, s3;
	s0 =	sld [smem:$0x3F9F]  }
0x30: {  	s3 =	sld [smem:$0x3FA2]  }
0x31: {  	[smem:$0x3FAB] =	sst s10  }
0x32: {  	s10 =	sld [smem:$0x3FA9];
	_ =	sdelay $0x3  }
0x33: {  	p0 =	seq.s32 s10, $0x1;
	s10 =	sld [smem:$0x3FAB];
	_ =	sdelay $0x3  }
0x34: {  	[smem:$0x3FAB] =	sst s10  }
0x35: {  	s10 =	sld [smem:$0x3FAA];
	_ =	sdelay $0x3  }
0x36: {  	p1 =	seq.s32 s10, $0x1;
	s10 =	sld [smem:$0x3FAB];
	_ =	sdelay $0x3  }
0x37: {  	[smem:$0x3FAB] =	sst s10  }
0x38: {  	s10 =	sld [smem:$0x3FAC]  }
0x39: {  	_ = 	snop;
	(pc) =	sbr.ind lr, $3  }
0x3a: {  	_ = 	snop  }
0x3b: {  	_ = 	snop  }
0x3c: {  	p2 =	seq.s32 s10, $0x1;
	s10 =	sld [smem:$0x3FAB]  }
0x3d: {  	_ =	shalt  }
0x3e: {  	_ =	shalt  }
0x3f: {  	_ =	shalt  }
0x40: {  	_ =	shalt  }
0x41: {  	_ =	shalt  }
0x42: {  	_ =	shalt  }
0x43: {  	_ =	shalt  }
0x44: {  	_ =	shalt  }
0x45: {  	_ =	shalt  }
0x46: {  	_ =	shalt  }
0x47: {  	_ =	shalt  }
0x48: {  	_ =	shalt  }
0x49: {  	_ =	shalt  }
0x4a: {  	_ =	shalt  }
0x4b: {  	_ =	shalt  }
0x4c: {  	_ =	shalt  }
0x4d: {  	_ =	shalt  }
0x4e: {  	_ =	shalt  }
0x4f: {  	_ =	shalt  }
0x50: {  	_ =	shalt  }
0x51: {  	_ =	shalt  }
0x52: {  	_ =	shalt  }
0x53: {  	_ =	shalt  }
0x54: {  	_ =	shalt  }
0x55: {  	_ =	shalt  }
0x56: {  	_ =	shalt  }
0x57: {  	_ =	shalt  }
0x58: {  	_ =	shalt  }
0x59: {  	_ =	shalt  }
0x5a: {  	_ =	shalt  }
0x5b: {  	_ =	shalt  }
0x5c: {  	_ =	shalt  }
0x5d: {  	_ =	shalt  }
0x5e: {  	_ =	shalt  }
0x5f: {  	_ =	shalt  }
0x60: {  	_ =	shalt  }
0x61: {  	_ =	shalt  }
0x62: {  	_ =	shalt  }
0x63: {  	_ =	shalt  }
0x64: {  	_ =	shalt  }
0x65: {  	_ =	shalt  }
0x66: {  	_ =	shalt  }
0x67: {  	_ =	shalt  }
0x68: {  	_ =	shalt  }
0x69: {  	_ =	shalt  }
0x6a: {  	_ =	shalt  }
0x6b: {  	_ =	shalt  }
0x6c: {  	_ =	shalt  }
0x6d: {  	_ =	shalt  }
0x6e: {  	_ =	shalt  }
0x6f: {  	_ =	shalt  }
0x70: {  	_ =	shalt  }
0x71: {  	_ =	shalt  }
0x72: {  	_ =	shalt  }
0x73: {  	_ =	shalt  }
0x74: {  	_ =	shalt  }
0x75: {  	_ =	shalt  }
0x76: {  	_ =	shalt  }
0x77: {  	_ =	shalt  }
0x78: {  	_ =	shalt  }
0x79: {  	_ =	shalt  }
0x7a: {  	_ =	shalt  }
0x7b: {  	_ =	shalt  }
0x7c: {  	_ =	shalt  }
0x7d: {  	_ =	shalt  }
0x7e: {  	_ =	shalt  }
0x7f: {  	_ =	shalt  }
0x80: {  	_ =	shalt  }
0x81: {  	_ =	shalt  }
0x82: {  	_ =	shalt  }
0x83: {  	_ =	shalt  }
0x84: {  	_ =	shalt  }
0x85: {  	_ =	shalt  }
0x86: {  	_ =	shalt  }
0x87: {  	_ =	shalt  }
.Lfunc_end0:
.L_simem_size_0:
called_computation_lowered:
.L_overlay_start_0:
0x88: {  	s2 =	sld [smem:$0x3FD9]  }
0x89: {  	s3 =	sld [smem:$0x3FFE];
	_ =	sdelay $0x1  }
0x8a: {  	s1 =	srdreg.scid  }
0x8b: {  	s0 =	sand.u32 $0x1, s1  }
0x8c: {  	s17 =	sshll.u32 s0, $0xA;
	s2 =	sadd.s32 s3, s2  }
0x8d: {  	s2 =	sadd.s32 s2, s17  }
0x8e: {  	[smem:$0x3FB7] =	sst s2  }
0x8f: {  	_ = 	snop  }
0x90: {  	s2 =	sld [smem:$0x3FBD];
	(tm) =	ssettm $0x1  }
0x91: {  	s18 =	sld [smem:$0x3FFB];
	_ =	sdelay $0x3  }
0x92: {  	_ =	strace s18  }
0x93: {  	s3 =	sld [smem:$0x3FFC];
	_ =	sdelay $0x3  }
0x94: {  	_ =	strace s3  }
0x95: {  	s3 =	sld [smem:$0x3FFD];
	_ =	sdelay $0x3  }
0x96: {  	_ =	strace s3  }
0x97: {  	_ =	strace $0x8FFFFFFF  }
0x98: {  	s19 =	sld [smem:$0x3FDB];
	_ =	sdelay $0x1  }
0x99: {  	s4 =	simm.s32 $_scs_section_size  }
0x9a: {  	s5 =	simm.s32 $_size__tile_overlayer_lowered;
	s6 =	simm.s32 $_tile_overlayer_lowered  }
0x9b: {  	s22 =	simm.s32 $0x1BFF;
	s21 =	sshll.u32 s6, $0x1;
	s3 =	sadd.s32 s4, s19  }
0x9c: {  	s7 =	simm.s32 $0x0;
	s20 =	sshll.u32 s5, $0x1;
	s5 =	sadd.s32 s21, s3  }
0x9d: {  	[timem:s7], [sflag:s22] =	dma.local [hbm:s5], s20  }
0x9e: {  	_ =	swait.ge [sflag:s22], s20  }
0x9f: {  	s4 =	ssub.s32 $0x0, s20;
	[sflag:s22] =	ssyncset.done $0x0  }
0xa0: {  	[sflag:s22] =	ssyncadd.s32 s4;
	_ =	sdelay $0x1  }
0xa1: {  	s23 =	simm.s32 $0x1B8B  }
0xa2: {  	_ =	swait.ge [sflag:s23], $0x1  }
0xa3: {  	[sflag:s23] =	ssyncset.done $0x0  }
0xa4: {  	s25 =	simm.s32 $0x1B8E;
	s24 =	sld [smem:$0x3FFE];
	[sflag:s23] =	ssyncadd.s32 $0xFFFFFFFF  }
0xa5: {  	s26 =	simm.s32 $execute0_lowered;
	[smem:$0x3FD2] =	sst s25  }
0xa6: {  	s5 =	sshll.u32 s26, $0x1;
	_ =	strace $0x80000046;
	[dreg:$0x1] =	wrdreg $0xFFFFFFFF  }
0xa7: {  	s28 =	simm.s32 $_size_execute0_lowered;
	s3 =	sadd.s32 s3, s5;
	[dreg:$0x0] =	wrdreg $0x0  }
0xa8: {  	s5 =	sshll.u32 s28, $0x1;
	[dreg:$0x2] =	wrdreg s3  }
0xa9: {  	[dreg:$0x3] =	wrdreg s5  }
0xaa: {  	[dreg:$0x4] =	wrdreg $0xC0  }
0xab: {  	_ =	task [dreg:s7], $0x5FFFF  }
0xac: {  	[dreg:$0x1] =	wrdreg $0xFFFFFFFF  }
0xad: {  	[dreg:$0x0] =	wrdreg $0x60  }
0xae: {  	[dreg:$0x2] =	wrdreg s2  }
0xaf: {  	[dreg:$0x3] =	wrdreg s24  }
0xb0: {  	[dreg:$0x4] =	wrdreg $0x9  }
0xb1: {  	_ =	task.clear_ibuf [dreg:s7], $0x5FFFF;
	_ =	strace $0x90000046  }
0xb2: {  	s29 =	simm.s32 $0x9;
	_ =	strace $0x80000048  }
0xb3: {  	_ =	swait.ge [sflag:s29], $0x1  }
0xb4: {  	[sflag:s29] =	ssyncadd.s32 $0xFFFFFFFF  }
0xb5: {  	_ =	strace $0x90000048  }
0xb6: {  	_ =	sfence  }
0xb7: {  	s30 =	sld [smem:$0x0];
	_ =	sdelay $0x2  }
0xb8: {  	s31 =	sshll.u32 s1, $0xD;
	s1 =	sshrl.u32 s1, $0x2  }
0xb9: {  	s3 =	sand.u32 $0x4000, s31;
	s1 =	sadd.s32 s1, s30  }
0xba: {  	s0 =	sor.u32 s3, s0;
	s1 =	sshll.u32 s1, $0x11  }
0xbb: {  	s0 =	sor.u32 s1, s0  }
0xbc: {  	s0 =	sadd.s32 $0x8F2B, s0  }
0xbd: {  	[sflag:s0] =	ssyncadd.remote.s32 $0x1  }
0xbe: {  	_ =	sfence.sel $0xFFFF  }
0xbf: {  	[dreg:$0x0] =	wrdreg $0xFFFFFFFF;
	(pc) =	sbr.abs _section_cstart, $3  }
0xc0: {  	[dreg:$0x1] =	wrdreg $0xFFFFFFFF  }
0xc1: {  	_ =	task.clear_ibuf [dreg:s7], $0x2FFFF;
	_ =	strace $0x9FFFFFFF  }
0xc2: {  	(tm) =	ssettm $0x7FFFFFFF  }
0xc3: {  	_ =	shalt  }
tec
execute0_lowered:
.L_overlay_start_1:
0x0: {  	(tag) =	ssettag $0x1  }
0x1: {  	s0 =	srdreg.scid  }
0x2: {  	s1 =	sshll.u32 s0, $0x4  }
0x3: {  	s0 =	stileid.u32;
	s1 =	sand.u32 $0x10, s1  }
0x4: {  	s1 =	sor.u32 s0, s1  }
0x5: {  	s9 =	rddreg [dreg:$0x1];
	s6 =	simm.s32 $0x1;
	s2 =	smin.u32 s1, $0xA  }
0x6: {  	p0 =	slt.u32 s1, $0xA;
	s3 =	sadd.s32 s1, s2;
	s1 =	simm.s32 $0x40  }
0x7: {  	s7 =	simm.s32 $0x2;
	s3 =	sshll.u32 s3, $0x5;
	s1 =	simm.s32 @!p0 $0x20  }
0x8: {  	s10 =	simm.s32 $0x3;
	s13 =	simm.s32 $0x0;
	s4 =	sadd.s32 s1, s3  }
0x9: {  	s12 =	simm.s32 $0x0;
	s5 =	sadd.s32 $0x3200, s9;
	s4 =	smin.u32 s4, $0x540  }
.Ltmp0:
0xa: {  	s2 =	rddreg [dreg:$0x0];
	s8 =	ssub.s32 s4, s3;
	(pc) =	sbr.rel .LBB2_1-.Ltmp0, $4  }
0xb: {  	s1 =	rddreg [dreg:$0x2];
	_ =	strace $0x80000047;
	p0 =	sgt.s32 s8, $0x0  }
0xc: {  	s9 =	sadd.s32 $0x3400, s9;
	[sflag:s6] =	ssyncpa.u1 $0x0;
	s8 =	simm.s32 @!p0 $0x0  }
0xd: {  	s11 =	smov.u32 s3;
	[sflag:s7] =	ssyncpa.u1 $0x0;
	s8 =	sshrl.u32 s8, $0x5  }
0xe: {  	vm0 =	vmmov $0xff;
	vm1 =	vcmask $0x3F20;
	[sflag:s10] =	ssyncpa.u1 $0x0;
	p0 =	por $0x0, $0x0;
	s10 =	sadd.s32 $0x1, s8  }
.LBB2_6:
0xf: {  	[hbm:s17] =	stream.linear.scatter [tilespmem:s14], [sflag:$0x3], $0x400, $0x38;
	[tilespmem:$0x2040] =	vst v63  }
.LBB2_7:
0x10: {  	s13 =	sadd.s32 $0x20, s11  }
0x11: {  	s15 =	smov.u32 s3;
	p2 =	slt.s32 s13, s4  }
0x12: {  	s15 =	smov.u32 @p2 s13;
	p2 =	sne.s32 s12, s10  }
.Ltmp1:
0x13: {  	p1 =	slt.u32 s12, $0x2;
	(pc) =	sbr.rel @!p2 .LBB2_8-.Ltmp1, $4  }
0x14: {  	s14 =	simm.s32 @!p1 $0x3  }
0x15: {  	s16 =	sadd.s32 $0x1, s12;
	_ =	swait.ge @!p1 [sflag:s14], $0x1000  }
0x16: {  	p0 =	por !p0, !p0;
	s13 =	smov.u32 s11;
	[sflag:s14] =	ssyncset.done @!p1 $0x0  }
0x17: {  	s12 =	smov.u32 s16;
	s11 =	smov.u32 s15;
	[sflag:s14] =	ssyncadd.s32 @!p1 $0xFFFFF000  }
.LBB2_1:
0x18: {  	p1 =	sge.u32 s12, s8  }
0x19: {  	s14 =	sxor.u32 @!p1 $0xFFFFFFFF, s12  }
0x1a: {  	s31 =	sadd.s32 $0xFFFFFFFF, s12;
	s15 =	sshrl.u32 @!p1 s11, $0x3;
	s14 =	sshll.u32 @!p1 s14, $0x5  }
0x1b: {  	s16 =	sand.u32 @!p1 $0x7, s11;
	s15 =	sadd.s32 @!p1 s5, s15;
	s14 =	sand.u32 @!p1 $0x20, s14  }
0x1c: {  	[tilespmem:s14], [sflag:$0x2] =	stream.linear.gather @!p1 [hbm4b:s15+s16], $0x20, $0x38;
	[tilespmem:$0x2040] =	vst v63  }
0x1d: {  	p1 =	sge.u32 s31, s8  }
.Ltmp2:
0x1e: {  	_ = 	snop;
	(pc) =	sbr.rel @p1 .LBB2_7-.Ltmp2, $1  }
0x1f: {  	_ =	sdelay $0x3  }
0x20: {  	s14 =	simm.s32 $0x1  }
0x21: {  	_ =	swait.ge [sflag:s7], $0x20;
	s16 =	sand.u32 $0x1, s12;
	s17 =	simm.s32 $0x0  }
0x22: {  	p1 =	por $0x1, $0x1;
	s14 =	simm.s32 @!p0 $0x0;
	[sflag:s7] =	ssyncset.done $0x0  }
0x23: {  	s15 =	sshll.u32 s16, $0x5;
	s16 =	sshll.u32 s16, $0xC;
	s14 =	sshll.u32 s14, $0xC  }
0x24: {  	[sflag:s7] =	ssyncadd.s32 $0xFFFFFFE0;
	s16 =	sor.u32 $0x40, s16;
	s14 =	sor.u32 $0x40, s14  }
.LBB2_3:
0x25: {  	s18 =	sshll.u32 s17, $0x4  }
0x26: {  	s18 =	sand.u32 $0x3FFFFFF0, s18  }
0x27: {  	s18 =	sadd.s32 s18, s15  }
0x28: {  	v0 =	vld.msk [tilespmem:s18+$0x0 ss:$0x1], $0xffff;
	_ =	sdelay $0x4  }
0x29: {  	vm2 =	vgt.s32 v0, $0x0  }
0x2a: {  	v0 =	vnsel vm2, $0x0, v0  }
0x2b: {  	v0 =	vmin.u32 v0, $0x53F  }
0x2c: {  	v0 =	vshll.u32 v0, $0x4;
	_ =	sdelay $0x1  }
0x2d: {  	s31 =	sshll.u32 s17, $0xB  }
0x2e: {  	p2 =	por p1, p1;
	s17 =	sand.u32 $0x3FFFF800, s31  }
.Ltmp3:
0x2f: {  	s17 =	sadd.s32 s17, s16;
	(pc) =	sbr.rel @p2 .LBB2_3-.Ltmp3, $4  }
0x30: {  	[tilespmem:s17], [sflag:$0x1] =	stream.indirect_vreg.gather [hbm:s2], $0x80, v0, vm0, $0x38;
	[tilespmem:$0x2040] =	vst v63  }
0x31: {  	s17 =	sadd.s32 $0x400, s17  }
0x32: {  	[tilespmem:s17], [sflag:$0x1] =	stream.indirect_vreg.gather [hbm:s2], $0x80, v0, vm1, $0x38;
	[tilespmem:$0x2040] =	vst v63  }
0x33: {  	p1 =	por $0x0, $0x0;
	s17 =	simm.s32 $0x1  }
0x34: {  	_ =	swait.ge [sflag:s6], $0x1000;
	s13 =	sshll.u32 s13, $0x4  }
0x35: {  	s15 =	simm.s32 $0x80;
	[sflag:s6] =	ssyncset.done $0x0;
	s13 =	sadd.s32 s13, s9  }
0x36: {  	s16 =	sadd.s32 $0x400, s14;
	[sflag:s6] =	ssyncadd.s32 $0xFFFFF000;
	s17 =	sadd.s32 $0x0, s13  }
.LBB2_5:
0x37: {  	[hbm:s17] =	stream.linear.scatter [tilespmem:s14], [sflag:$0x3], $0x400, $0x38;
	[tilespmem:$0x2040] =	vst v63  }
0x38: {  	s17 =	smov.u32 s15;
	s14 =	smov.u32 s16;
	p1 =	sne.s32 s15, $0x180  }
.Ltmp4:
0x39: {  	s15 =	sadd.s32 $0x80, s15;
	(pc) =	sbr.rel @p1 .LBB2_5-.Ltmp4, $2  }
0x3a: {  	_ =	sdelay $0x2  }
0x3b: {  	s16 =	sadd.s32 $0x400, s16;
	s17 =	sadd.s32 s17, s13  }
.Ltmp5:
0x3c: {  	_ = 	snop;
	(pc) =	sbr.rel .LBB2_6-.Ltmp5, $1  }
0x3d: {  	_ =	sdelay $0x3  }
.LBB2_8:
0x3e: {  	_ =	sfence.sel $0x180000  }
0x3f: {  	s2 =	simm.s32 $0x2;
	[bflag:$0x0] =	sbarrier.arrive $0xFFFF  }
0x40: {  	s30 =	simm.s32 $0x3;
	[sflag:s2] =	ssyncpa.u1 $0x1  }
0x41: {  	s31 =	simm.s32 $0x1;
	[sflag:s30] =	ssyncpa.u1 $0x1  }
0x42: {  	[sflag:s31] =	ssyncpa.u1 $0x1  }
0x43: {  	p0 =	sne.s32 s0, $0x0;
	_ =	strace $0x90000047  }
0x44: {  	s0 =	sadd.s32 @!p0 $0x100000, s1;
	[bflag:$0x2] =	sbarrier.arrive $0xFFFF  }
0x45: {  	[sflag:s0] =	ssyncadd.tile.s32 @!p0 $0x1;
	_ =	shalt  }
.Lfunc_end2:
_tile_overlayer_lowered:
.L_overlay_start_2:
0x46: {  	(tag) =	ssettag $0x2  }
0x47: {  	s0 =	rddreg [dreg:$0x0];
	s2 =	stileid.u32  }
0x48: {  	s1 =	rddreg [dreg:$0x1];
	p0 =	sne.s32 s2, $0x0  }
0x49: {  	s3 =	rddreg [dreg:$0x2];
	[bflag:$0x3] =	sbarrier.arrive $0xFFFF;
	s2 =	simm.s32 @!p0 $0x1C01  }
0x4a: {  	[timem:s3], [sflag:s2] =	dma.local @!p0 [hbm:s0], s1  }
0x4b: {  	s0 =	simm.s32 @!p0 $0x1  }
0x4c: {  	_ =	swait.ge @!p0 [sflag:s0], s1  }
0x4d: {  	s1 =	ssub.s32 @!p0 $0x0, s1;
	[sflag:s0] =	ssyncset.done @!p0 $0x0  }
0x4e: {  	[sflag:s0] =	ssyncadd.s32 @!p0 s1  }
0x4f: {  	[bflag:$0x3] =	sbarrier.arrive $0xFFFF  }
0x50: {  	_ =	shalt  }

// kernel: kernel.4.cloned.1.call-start
scs
__scs_entry_jumppad:
0x0: {  	(pc) =	sbr.rel $0x88, $3  }
0x1: {  	(tag) =	ssettag $0x0;
	lr =	simm.s32 $0x1  }
0x2: {  	[smem:$0x3F90] =	sst lr;
	_ =	strace $0xD0000000  }
0x3: {  	_ = 	snop  }
0x4: {  	_ = 	snop  }
0x5: {  	_ = 	snop  }
0x6: {  	_ = 	snop  }
0x7: {  	_ = 	snop  }
__scs_overlays_trampoline_lowered:
0x8: {  	[smem:$0x3F9F] =	sst s0  }
0x9: {  	[smem:$0x3FA0] =	sst s1  }
0xa: {  	[smem:$0x3FA1] =	sst s2  }
0xb: {  	[smem:$0x3FA2] =	sst s3  }
0xc: {  	[smem:$0x3FA3] =	sst s4  }
0xd: {  	[smem:$0x3FA4] =	sst s5  }
0xe: {  	[smem:$0x3FA5] =	sst s6  }
0xf: {  	[smem:$0x3FA6] =	sst s7  }
0x10: {  	[smem:$0x3FA7] =	sst s8  }
0x11: {  	[smem:$0x3FA8] =	sst s9;
	s0 =	simm.s32 @!p0 $0x0  }
0x12: {  	s1 =	sld [smem:$0x3F8E];
	s0 =	simm.s32 @p0 $0x1  }
0x13: {  	[smem:$0x3FA9] =	sst s0;
	s0 =	simm.s32 @!p1 $0x0  }
0x14: {  	s2 =	sld [smem:$0x3F8D];
	s0 =	simm.s32 @p1 $0x1  }
0x15: {  	[smem:$0x3FAA] =	sst s0;
	s0 =	simm.s32 @!p2 $0x0  }
0x16: {  	s3 =	sld [smem:$0x3FDB];
	s0 =	simm.s32 @p2 $0x1  }
0x17: {  	s4 =	simm.s32 $0x1BF5;
	[smem:$0x3FAC] =	sst s0  }
0x18: {  	s0 =	sld [smem:$0x3F8F];
	_ =	swait.ge [sflag:s4], $0x0  }
0x19: {  	s7 =	sld [smem:$0x3F90]  }
0x1a: {  	s8 =	sadd.s32 $0xFFFFE003, lr  }
0x1b: {  	s9 =	sadd.s32 $0xFFFFFEF7, lr;
	s5 =	simm.s32 $0xFFFFFFFF;
	p2 =	slt.u32 s8, $0xFFFFF086  }
0x1c: {  	p1 =	slt.u32 s9, $0xF7A;
	s5 =	simm.s32 @!p2 $0x0  }
0x1d: {  	s5 =	simm.s32 @p1 $0x1;
	p0 =	seq.s32 s7, s2  }
0x1e: {  	s7 =	smul.u32 @!p0 $0xF7A, s2;
	p2 =	seq.s32 @!p0 s5, $0x0  }
0x1f: {  	s9 =	smul.u32 $0xF7A, s1;
	s8 =	simm.s32 @!p0 $0x1BF5;
	p2 =	por !p2, p0  }
0x20: {  	[sflag:s8] =	ssyncset.s32 @!p0 $0xFFFFF086;
	s6 =	sadd.s32 @!p0 s3, s7;
	s7 =	simm.s32 @!p0 $0x108  }
0x21: {  	s3 =	sadd.s32 s3, s9;
	s6 =	sadd.s32 @!p0 $0x88, s6;
	s7 =	simm.s32 @p2 $0x1082  }
0x22: {  	[simem:s7], [sflag:s8] =	dma.local @!p0 [hbm:s6], $0xF7A  }
0x23: {  	s9 =	sor.u32 $0xD0000000, s2;
	s6 =	simm.s32 $0x108;
	_ =	swait.ge @!p0 [sflag:s8], $0x0  }
0x24: {  	s3 =	sadd.s32 $0x88, s3;
	s6 =	simm.s32 @!p1 $0x1082;
	[sflag:s4] =	ssyncset.s32 $0xFFFFF086  }
0x25: {  	[simem:s6], [sflag:s4] =	dma.local [hbm:s3], $0xF7A  }
0x26: {  	[smem:$0x3F90] =	sst s1;
	(tag) =	ssettag s2;
	_ =	strace s9  }
0x27: {  	s1 =	sld [smem:$0x3FA0]  }
0x28: {  	s2 =	sld [smem:$0x3FA1]  }
0x29: {  	s4 =	sld [smem:$0x3FA3]  }
0x2a: {  	p0 =	seq.s32 s5, $0x0;
	s5 =	sld [smem:$0x3FA4]  }
0x2b: {  	s6 =	sld [smem:$0x3FA5]  }
0x2c: {  	s7 =	sld [smem:$0x3FA6]  }
0x2d: {  	s3 =	simm.s32 $0x108;
	s8 =	sld [smem:$0x3FA7]  }
0x2e: {  	s3 =	simm.s32 @!p0 $0x1082;
	s9 =	sld [smem:$0x3FA8]  }
0x2f: {  	lr =	sadd.s32 s0, s3;
	s0 =	sld [smem:$0x3F9F]  }
0x30: {  	s3 =	sld [smem:$0x3FA2]  }
0x31: {  	[smem:$0x3FAB] =	sst s10  }
0x32: {  	s10 =	sld [smem:$0x3FA9];
	_ =	sdelay $0x3  }
0x33: {  	p0 =	seq.s32 s10, $0x1;
	s10 =	sld [smem:$0x3FAB];
	_ =	sdelay $0x3  }
0x34: {  	[smem:$0x3FAB] =	sst s10  }
0x35: {  	s10 =	sld [smem:$0x3FAA];
	_ =	sdelay $0x3  }
0x36: {  	p1 =	seq.s32 s10, $0x1;
	s10 =	sld [smem:$0x3FAB];
	_ =	sdelay $0x3  }
0x37: {  	[smem:$0x3FAB] =	sst s10  }
0x38: {  	s10 =	sld [smem:$0x3FAC]  }
0x39: {  	_ = 	snop;
	(pc) =	sbr.ind lr, $3  }
0x3a: {  	_ = 	snop  }
0x3b: {  	_ = 	snop  }
0x3c: {  	p2 =	seq.s32 s10, $0x1;
	s10 =	sld [smem:$0x3FAB]  }
0x3d: {  	_ =	shalt  }
0x3e: {  	_ =	shalt  }
0x3f: {  	_ =	shalt  }
0x40: {  	_ =	shalt  }
0x41: {  	_ =	shalt  }
0x42: {  	_ =	shalt  }
0x43: {  	_ =	shalt  }
0x44: {  	_ =	shalt  }
0x45: {  	_ =	shalt  }
0x46: {  	_ =	shalt  }
0x47: {  	_ =	shalt  }
0x48: {  	_ =	shalt  }
0x49: {  	_ =	shalt  }
0x4a: {  	_ =	shalt  }
0x4b: {  	_ =	shalt  }
0x4c: {  	_ =	shalt  }
0x4d: {  	_ =	shalt  }
0x4e: {  	_ =	shalt  }
0x4f: {  	_ =	shalt  }
0x50: {  	_ =	shalt  }
0x51: {  	_ =	shalt  }
0x52: {  	_ =	shalt  }
0x53: {  	_ =	shalt  }
0x54: {  	_ =	shalt  }
0x55: {  	_ =	shalt  }
0x56: {  	_ =	shalt  }
0x57: {  	_ =	shalt  }
0x58: {  	_ =	shalt  }
0x59: {  	_ =	shalt  }
0x5a: {  	_ =	shalt  }
0x5b: {  	_ =	shalt  }
0x5c: {  	_ =	shalt  }
0x5d: {  	_ =	shalt  }
0x5e: {  	_ =	shalt  }
0x5f: {  	_ =	shalt  }
0x60: {  	_ =	shalt  }
0x61: {  	_ =	shalt  }
0x62: {  	_ =	shalt  }
0x63: {  	_ =	shalt  }
0x64: {  	_ =	shalt  }
0x65: {  	_ =	shalt  }
0x66: {  	_ =	shalt  }
0x67: {  	_ =	shalt  }
0x68: {  	_ =	shalt  }
0x69: {  	_ =	shalt  }
0x6a: {  	_ =	shalt  }
0x6b: {  	_ =	shalt  }
0x6c: {  	_ =	shalt  }
0x6d: {  	_ =	shalt  }
0x6e: {  	_ =	shalt  }
0x6f: {  	_ =	shalt  }
0x70: {  	_ =	shalt  }
0x71: {  	_ =	shalt  }
0x72: {  	_ =	shalt  }
0x73: {  	_ =	shalt  }
0x74: {  	_ =	shalt  }
0x75: {  	_ =	shalt  }
0x76: {  	_ =	shalt  }
0x77: {  	_ =	shalt  }
0x78: {  	_ =	shalt  }
0x79: {  	_ =	shalt  }
0x7a: {  	_ =	shalt  }
0x7b: {  	_ =	shalt  }
0x7c: {  	_ =	shalt  }
0x7d: {  	_ =	shalt  }
0x7e: {  	_ =	shalt  }
0x7f: {  	_ =	shalt  }
0x80: {  	_ =	shalt  }
0x81: {  	_ =	shalt  }
0x82: {  	_ =	shalt  }
0x83: {  	_ =	shalt  }
0x84: {  	_ =	shalt  }
0x85: {  	_ =	shalt  }
0x86: {  	_ =	shalt  }
0x87: {  	_ =	shalt  }
.Lfunc_end0:
.L_simem_size_0:
called_computation.1_lowered:
.L_overlay_start_0:
0x88: {  	s2 =	sld [smem:$0x3FD9]  }
0x89: {  	s3 =	sld [smem:$0x3FFE];
	_ =	sdelay $0x1  }
0x8a: {  	s1 =	srdreg.scid  }
0x8b: {  	s0 =	sand.u32 $0x1, s1  }
0x8c: {  	s17 =	sshll.u32 s0, $0xA;
	s2 =	sadd.s32 s3, s2  }
0x8d: {  	s2 =	sadd.s32 s2, s17  }
0x8e: {  	[smem:$0x3FB7] =	sst s2  }
0x8f: {  	_ = 	snop  }
0x90: {  	s18 =	sld [smem:$0x3FD0];
	(tm) =	ssettm $0x1  }
0x91: {  	s19 =	sld [smem:$0x3FFB];
	_ =	sdelay $0x3  }
0x92: {  	_ =	strace s19  }
0x93: {  	s2 =	sld [smem:$0x3FFC];
	_ =	sdelay $0x3  }
0x94: {  	_ =	strace s2  }
0x95: {  	s2 =	sld [smem:$0x3FFD];
	_ =	sdelay $0x3  }
0x96: {  	_ =	strace s2  }
0x97: {  	_ =	strace $0x8FFFFFFF  }
0x98: {  	s20 =	sld [smem:$0x3FDB];
	_ =	sdelay $0x1  }
0x99: {  	s4 =	simm.s32 $_scs_section_size  }
0x9a: {  	s5 =	simm.s32 $_size__tile_overlayer_lowered;
	s6 =	simm.s32 $_tile_overlayer_lowered  }
0x9b: {  	s7 =	simm.s32 $0x1BFF;
	s21 =	sshll.u32 s6, $0x1;
	s4 =	sadd.s32 s4, s20  }
0x9c: {  	s22 =	simm.s32 $0x0;
	s5 =	sshll.u32 s5, $0x1;
	s6 =	sadd.s32 s21, s4  }
0x9d: {  	[timem:s22], [sflag:s7] =	dma.local [hbm:s6], s5  }
0x9e: {  	_ =	swait.ge [sflag:s7], s5  }
0x9f: {  	s5 =	ssub.s32 $0x0, s5;
	[sflag:s7] =	ssyncset.done $0x0  }
0xa0: {  	[sflag:s7] =	ssyncadd.s32 s5;
	_ =	sdelay $0x1  }
0xa1: {  	s23 =	simm.s32 $0x1B8B  }
0xa2: {  	_ =	swait.ge [sflag:s23], $0x1  }
0xa3: {  	[sflag:s23] =	ssyncset.done $0x0  }
0xa4: {  	[sflag:s23] =	ssyncadd.s32 $0xFFFFFFFF  }
0xa5: {  	s5 =	sld [smem:$0x0]  }
0xa6: {  	s6 =	sand.u32 $0xFFFFFFFE, s1  }
0xa7: {  	p0 =	sne.s32 s1, s6  }
0xa8: {  	s6 =	sshll.u32 @p0 s6, $0xE  }
0xa9: {  	s6 =	sadd.s32 @p0 $0x11B8D, s6;
	s7 =	sshll.u32 @p0 s5, $0x11  }
0xaa: {  	s6 =	sor.u32 @p0 s7, s6  }
0xab: {  	[sflag:s6] =	ssyncadd.remote.s32 @p0 $0x1;
	_ =	sdelay $0x1  }
0xac: {  	s6 =	simm.s32 @p0 $0x1B8D  }
0xad: {  	_ =	swait.eq @p0 [sflag:s6], $0x1  }
0xae: {  	[sflag:s6] =	ssyncadd.s32 @p0 $0xFFFFFFFF  }
0xaf: {  	s7 =	sshll.u32 @!p0 s1, $0xE  }
0xb0: {  	s7 =	sor.u32 @!p0 $0x4000, s7;
	s6 =	simm.s32 @!p0 $0x1B8D  }
0xb1: {  	s5 =	sshll.u32 @!p0 s5, $0x11;
	s7 =	sadd.s32 @!p0 $0x11B8D, s7;
	_ =	swait.eq @!p0 [sflag:s6], $0x1  }
0xb2: {  	s5 =	sor.u32 @!p0 s5, s7;
	[sflag:s6] =	ssyncadd.s32 @!p0 $0xFFFFFFFF  }
0xb3: {  	s25 =	simm.s32 $0x1B8E;
	s24 =	sld [smem:$0x3FFE];
	[sflag:s5] =	ssyncadd.remote.s32 @!p0 $0x1  }
0xb4: {  	s26 =	simm.s32 $execute0_lowered;
	[smem:$0x3FD2] =	sst s25  }
0xb5: {  	s6 =	sshll.u32 s26, $0x1;
	_ =	strace $0x80000049;
	[dreg:$0x1] =	wrdreg $0xFFFFFFFF  }
0xb6: {  	s28 =	simm.s32 $_size_execute0_lowered;
	s4 =	sadd.s32 s4, s6;
	[dreg:$0x0] =	wrdreg $0x0  }
0xb7: {  	s6 =	sshll.u32 s28, $0x1;
	[dreg:$0x2] =	wrdreg s4  }
0xb8: {  	[dreg:$0x3] =	wrdreg s6  }
0xb9: {  	[dreg:$0x4] =	wrdreg $0xC0  }
0xba: {  	_ =	task [dreg:s22], $0x5FFFF  }
0xbb: {  	[dreg:$0x1] =	wrdreg $0xFFFFFFFF  }
0xbc: {  	[dreg:$0x0] =	wrdreg $0x60  }
0xbd: {  	[dreg:$0x2] =	wrdreg s18  }
0xbe: {  	[dreg:$0x3] =	wrdreg s24  }
0xbf: {  	[dreg:$0x4] =	wrdreg $0xA  }
0xc0: {  	_ =	task.clear_ibuf [dreg:s22], $0x5FFFF;
	_ =	strace $0x90000049  }
0xc1: {  	s29 =	simm.s32 $0xA;
	_ =	strace $0x8000004B  }
0xc2: {  	_ =	swait.ge [sflag:s29], $0x1  }
0xc3: {  	[sflag:s29] =	ssyncadd.s32 $0xFFFFFFFF  }
0xc4: {  	_ =	strace $0x9000004B  }
0xc5: {  	_ =	sfence  }
0xc6: {  	s30 =	sld [smem:$0x0];
	_ =	sdelay $0x2  }
0xc7: {  	s31 =	sshll.u32 s1, $0xD;
	s1 =	sshrl.u32 s1, $0x2  }
0xc8: {  	s4 =	sand.u32 $0x4000, s31;
	s1 =	sadd.s32 s1, s30  }
0xc9: {  	s0 =	sor.u32 s4, s0;
	s1 =	sshll.u32 s1, $0x11  }
0xca: {  	s0 =	sor.u32 s1, s0  }
0xcb: {  	s0 =	sadd.s32 $0x8F2B, s0  }
0xcc: {  	[sflag:s0] =	ssyncadd.remote.s32 $0x1  }
0xcd: {  	_ =	sfence.sel $0xFFFF  }
0xce: {  	[dreg:$0x0] =	wrdreg $0xFFFFFFFF;
	(pc) =	sbr.abs _section_cstart, $3  }
0xcf: {  	[dreg:$0x1] =	wrdreg $0xFFFFFFFF  }
0xd0: {  	_ =	task.clear_ibuf [dreg:s22], $0x2FFFF;
	_ =	strace $0x9FFFFFFF  }
0xd1: {  	(tm) =	ssettm $0x7FFFFFFF  }
tec
execute0_lowered:
.L_overlay_start_1:
0x0: {  	(tag) =	ssettag $0x1  }
0x1: {  	s1 =	srdreg.scid;
	s2 =	rddreg [dreg:$0x0]  }
0x2: {  	s0 =	stileid.u32;
	s4 =	rddreg [dreg:$0x1];
	s3 =	simm.s32 $0x0  }
0x3: {  	s15 =	simm.s32 $0x1;
	s16 =	simm.s32 $0x5400;
	s17 =	simm.s32 $0x2  }
0x4: {  	s18 =	simm.s32 $0x3;
	s19 =	simm.s32 $0x100;
	s12 =	smul.u32 $0x140000, s0  }
0x5: {  	s20 =	simm.s32 $0x4;
	s8 =	sand.u32 $0x1, s1;
	s30 =	smul.u32 $0x28000, s0  }
0x6: {  	s21 =	simm.s32 $0x1380;
	s25 =	sshll.u32 s0, $0x1;
	s29 =	smul.u32 $0xA0000, s8  }
0x7: {  	s1 =	rddreg [dreg:$0x2];
	s5 =	sor.u32 s8, s25;
	s13 =	smul.u32 $0x14000, s8  }
0x8: {  	s22 =	simm.s32 $0x0;
	[smem:$0x7FF] =	sst s3;
	s6 =	smul.u32 $0x1400, s5  }
0x9: {  	s11 =	sadd.s32 $0xD800, s4;
	s9 =	ssub.s32 $0x2, s8;
	s7 =	smul.u32 $0xA0000, s5  }
0xa: {  	_ =	strace $0x8000004A;
	s10 =	smul.u32 $0x14000, s5;
	s26 =	sshrl.u32 s9, $0x1  }
0xb: {  	s28 =	ssub.s32 s9, s26;
	s9 =	sadd.s32 s29, s12;
	s12 =	sadd.s32 s30, s11  }
0xc: {  	s6 =	sshrl.u32 s6, $0x3;
	s7 =	sshrl.u32 s7, $0x3;
	s5 =	smax.u32 s28, $0x1  }
0xd: {  	s10 =	sadd.s32 s11, s10;
	s9 =	sor.u32 $0x8000, s9;
	s31 =	sadd.s32 s13, s12  }
0xe: {  	s12 =	simm.s32 $0x5;
	s13 =	simm.s32 $0x80;
	s6 =	sadd.s32 s6, s4  }
0xf: {  	s14 =	sshrl.u32 s9, $0x3;
	s9 =	sadd.s32 $0x13800, s10;
	s4 =	sadd.s32 $0x8800, s6  }
0x10: {  	s6 =	sadd.s32 s11, s7;
	s7 =	sadd.s32 $0x800, s10;
	s10 =	sadd.s32 s14, s11  }
0x11: {  	s11 =	sadd.s32 $0x1800, s31;
	s14 =	simm.s32 $0x1400;
	s8 =	sadd.s32 $0x13000, s6  }
.LBB2_1:
0x12: {  	[tilespmem:s3], [sflag:$0x5] =	stream.linear.gather [hbm4b:s4+s3], $0x1400, $0x38;
	[tilespmem:$0x9400] =	vst v63  }
0x13: {  	_ =	swait.ge [sflag:s12], $0x1400  }
0x14: {  	[sflag:s12] =	ssyncset.done $0x0  }
0x15: {  	[sflag:s12] =	ssyncadd.s32 $0xFFFFEC00  }
0x16: {  	[tilespmem:s14], [sflag:$0x1] =	stream.indirect.gather [hbm4b:s2+s13], $0x80, s3, s13, $0xb8;
	[tilespmem:$0x9400] =	vst v63  }
0x17: {  	_ =	swait.ge [sflag:s15], $0x4000  }
0x18: {  	[sflag:s15] =	ssyncset.done $0x0  }
0x19: {  	[sflag:s15] =	ssyncadd.s32 $0xFFFFC000  }
0x1a: {  	[tilespmem:s16], [sflag:$0x2] =	stream.indirect.gather [hbm4b:s2+s13], $0x80, s13, s13, $0xb8;
	[tilespmem:$0x9400] =	vst v63  }
0x1b: {  	_ = 	snop  }
0x1c: {  	[hbm4b:s6+s3] =	stream.linear.scatter [tilespmem:s14], [sflag:$0x3], $0x4000, $0x38;
	[tilespmem:$0x9400] =	vst v63  }
0x1d: {  	_ =	swait.ge [sflag:s17], $0x4000  }
0x1e: {  	[sflag:s17] =	ssyncset.done $0x0  }
0x1f: {  	[sflag:s17] =	ssyncadd.s32 $0xFFFFC000  }
0x20: {  	_ =	swait.ge [sflag:s18], $0x4000  }
0x21: {  	[sflag:s18] =	ssyncset.done $0x0  }
0x22: {  	[sflag:s18] =	ssyncadd.s32 $0xFFFFC000  }
0x23: {  	[tilespmem:s14], [sflag:$0x1] =	stream.indirect.gather [hbm4b:s2+s13], $0x80, s19, s13, $0xb8;
	[tilespmem:$0x9400] =	vst v63  }
0x24: {  	_ = 	snop  }
0x25: {  	[hbm4b:s7+s3] =	stream.linear.scatter [tilespmem:s16], [sflag:$0x4], $0x4000, $0x38;
	[tilespmem:$0x9400] =	vst v63  }
0x26: {  	_ =	swait.ge [sflag:s15], $0x4000  }
0x27: {  	[sflag:s15] =	ssyncset.done $0x0  }
0x28: {  	[sflag:s15] =	ssyncadd.s32 $0xFFFFC000  }
0x29: {  	_ =	swait.ge [sflag:s20], $0x4000  }
0x2a: {  	[sflag:s20] =	ssyncset.done $0x0  }
0x2b: {  	s23 =	simm.s32 $0x180;
	[sflag:s20] =	ssyncadd.s32 $0xFFFFC000  }
0x2c: {  	[tilespmem:s16], [sflag:$0x2] =	stream.indirect.gather [hbm4b:s2+s13], $0x80, s23, s13, $0xb8;
	[tilespmem:$0x9400] =	vst v63  }
0x2d: {  	s30 =	sadd.s32 $0x0, s10  }
0x2e: {  	[hbm4b:s30+s3] =	stream.linear.scatter [tilespmem:s14], [sflag:$0x3], $0x4000, $0x38;
	[tilespmem:$0x9400] =	vst v63  }
0x2f: {  	_ =	swait.ge [sflag:s17], $0x4000  }
0x30: {  	[sflag:s17] =	ssyncset.done $0x0  }
0x31: {  	[sflag:s17] =	ssyncadd.s32 $0xFFFFC000  }
0x32: {  	_ =	swait.ge [sflag:s18], $0x4000  }
0x33: {  	s31 =	simm.s32 $0x200;
	s25 =	sadd.s32 $0x0, s11;
	[sflag:s18] =	ssyncset.done $0x0  }
0x34: {  	s24 =	simm.s32 $0x300;
	s23 =	simm.s32 $0x1000;
	[sflag:s18] =	ssyncadd.s32 $0xFFFFC000  }
0x35: {  	[tilespmem:s14], [sflag:$0x1] =	stream.indirect.gather [hbm4b:s2+s13], $0x80, s31, s13, $0xb8;
	[tilespmem:$0x9400] =	vst v63  }
.LBB2_2:
0x36: {  	[hbm4b:s25+s3] =	stream.linear.scatter [tilespmem:s16], [sflag:$0x4], $0x4000, $0x38;
	[tilespmem:$0x9400] =	vst v63  }
0x37: {  	s25 =	smov.u32 s23  }
0x38: {  	p0 =	sne.s32 s23, $0x11000;
	s23 =	sadd.s32 $0x1000, s23;
	_ =	swait.ge [sflag:s15], $0x4000  }
0x39: {  	[sflag:s15] =	ssyncset.done $0x0  }
0x3a: {  	[sflag:s15] =	ssyncadd.s32 $0xFFFFC000  }
0x3b: {  	_ =	swait.ge [sflag:s20], $0x4000  }
0x3c: {  	[sflag:s20] =	ssyncset.done $0x0  }
0x3d: {  	s26 =	sadd.s32 $0xFFFFFF80, s24;
	[sflag:s20] =	ssyncadd.s32 $0xFFFFC000  }
0x3e: {  	[tilespmem:s16], [sflag:$0x2] =	stream.indirect.gather [hbm4b:s2+s13], $0x80, s26, s13, $0xb8;
	[tilespmem:$0x9400] =	vst v63  }
0x3f: {  	s26 =	sadd.s32 s25, s10  }
0x40: {  	[hbm4b:s26+s3] =	stream.linear.scatter [tilespmem:s14], [sflag:$0x3], $0x4000, $0x38;
	[tilespmem:$0x9400] =	vst v63  }
0x41: {  	_ =	swait.ge [sflag:s17], $0x4000  }
0x42: {  	[sflag:s17] =	ssyncset.done $0x0  }
0x43: {  	[sflag:s17] =	ssyncadd.s32 $0xFFFFC000  }
.Ltmp0:
0x44: {  	_ =	swait.ge [sflag:s18], $0x4000;
	(pc) =	sbr.rel @p0 .LBB2_2-.Ltmp0, $4  }
0x45: {  	[sflag:s18] =	ssyncset.done $0x0  }
0x46: {  	[sflag:s18] =	ssyncadd.s32 $0xFFFFC000  }
0x47: {  	[tilespmem:s14], [sflag:$0x1] =	stream.indirect.gather [hbm4b:s2+s13], $0x80, s24, s13, $0xb8;
	[tilespmem:$0x9400] =	vst v63  }
0x48: {  	s25 =	sadd.s32 s25, s11;
	s24 =	sadd.s32 $0x100, s24  }
0x49: {  	[hbm4b:s25+s3] =	stream.linear.scatter [tilespmem:s16], [sflag:$0x4], $0x4000, $0x38;
	[tilespmem:$0x9400] =	vst v63  }
0x4a: {  	_ =	swait.ge [sflag:s15], $0x4000  }
0x4b: {  	[sflag:s15] =	ssyncset.done $0x0  }
0x4c: {  	[sflag:s15] =	ssyncadd.s32 $0xFFFFC000  }
0x4d: {  	_ =	swait.ge [sflag:s20], $0x4000  }
0x4e: {  	[sflag:s20] =	ssyncset.done $0x0  }
0x4f: {  	[sflag:s20] =	ssyncadd.s32 $0xFFFFC000  }
0x50: {  	[tilespmem:s16], [sflag:$0x2] =	stream.indirect.gather [hbm4b:s2+s13], $0x80, s21, s13, $0xb8;
	[tilespmem:$0x9400] =	vst v63  }
0x51: {  	_ = 	snop  }
0x52: {  	[hbm4b:s8+s3] =	stream.linear.scatter [tilespmem:s14], [sflag:$0x3], $0x4000, $0x38;
	[tilespmem:$0x9400] =	vst v63  }
0x53: {  	_ =	swait.ge [sflag:s17], $0x4000  }
0x54: {  	[sflag:s17] =	ssyncset.done $0x0  }
0x55: {  	[sflag:s17] =	ssyncadd.s32 $0xFFFFC000  }
0x56: {  	s22 =	sadd.s32 $0x1, s22;
	_ =	swait.ge [sflag:s18], $0x4000  }
0x57: {  	p0 =	sne.s32 s22, s5;
	[sflag:s18] =	ssyncset.done $0x0  }
.Ltmp1:
0x58: {  	[sflag:s18] =	ssyncadd.s32 $0xFFFFC000;
	(pc) =	sbr.rel @p0 .LBB2_1-.Ltmp1, $4  }
0x59: {  	[hbm4b:s9+s3] =	stream.linear.scatter [tilespmem:s16], [sflag:$0x4], $0x4000, $0x38;
	[tilespmem:$0x9400] =	vst v63  }
0x5a: {  	_ =	swait.ge [sflag:s20], $0x4000  }
0x5b: {  	[sflag:s20] =	ssyncset.done $0x0  }
0x5c: {  	[sflag:s20] =	ssyncadd.s32 $0xFFFFC000  }
0x5d: {  	_ =	sfence.sel $0x180000  }
0x5e: {  	[bflag:$0x0] =	sbarrier.arrive $0xFFFF  }
0x5f: {  	p0 =	sne.s32 s0, $0x0;
	_ =	strace $0x9000004A  }
0x60: {  	s0 =	sadd.s32 @!p0 $0x100000, s1;
	[bflag:$0x2] =	sbarrier.arrive $0xFFFF  }
0x61: {  	[sflag:s0] =	ssyncadd.tile.s32 @!p0 $0x1;
	_ =	shalt  }
.Lfunc_end2:
_tile_overlayer_lowered:
.L_overlay_start_2:
0x62: {  	(tag) =	ssettag $0x2  }
0x63: {  	s0 =	rddreg [dreg:$0x0];
	s2 =	stileid.u32  }
0x64: {  	s1 =	rddreg [dreg:$0x1];
	p0 =	sne.s32 s2, $0x0  }
0x65: {  	s3 =	rddreg [dreg:$0x2];
	[bflag:$0x3] =	sbarrier.arrive $0xFFFF;
	s2 =	simm.s32 @!p0 $0x1C05  }
0x66: {  	[timem:s3], [sflag:s2] =	dma.local @!p0 [hbm:s0], s1  }
0x67: {  	s0 =	simm.s32 @!p0 $0x5  }
0x68: {  	_ =	swait.ge @!p0 [sflag:s0], s1  }
0x69: {  	s1 =	ssub.s32 @!p0 $0x0, s1;
	[sflag:s0] =	ssyncset.done @!p0 $0x0  }
0x6a: {  	[sflag:s0] =	ssyncadd.s32 @!p0 s1  }
0x6b: {  	[bflag:$0x3] =	sbarrier.arrive $0xFFFF  }
0x6c: {  	_ =	shalt  }

</sc_bundles>
